<compile_context>
chip_gen: v7x
topology: tpu7x:2x2x1
jax: 0.10.2.dev20260603
libtpu: 0.0.44.dev20260713+nightly
codegen_flags: <defaults>
</compile_context>

<pallas_src>
import functools

import jax
import jax.numpy as jnp
from jax import lax
from jax.experimental import pallas as pl
from jax.experimental.pallas import tpu as pltpu
from jax.experimental.pallas import tpu_sc as plsc

N_NODES = 10000
D_FEAT = 128
N_EDGES = 320000
K_NEG = 10
INV_T = 2.0

NC = 2
NS = 16
NW = NC * NS
EDGES_PER_WORKER = N_EDGES // NW
CHUNK = 16
CHUNKS_PER_WORKER = -(-EDGES_PER_WORKER // CHUNK)
EDGE_PAD = CHUNKS_PER_WORKER * CHUNK - EDGES_PER_WORKER
ROWS_PER_EDGE = 2 + K_NEG
CHUNK_ROWS = CHUNK * ROWS_PER_EDGE
UNROLL = 1
NBUF = 3


def _tc_normalize(x_ref, o_ref):
    x = x_ref[...]
    n = jnp.sqrt(jnp.sum(x * x, axis=1, keepdims=True))
    o_ref[...] = (x / jnp.maximum(n, 1e-12)).astype(jnp.bfloat16)


def _tc_finalize(s_ref, p_ref, o_ref):
    tot = jnp.sum(jnp.log(s_ref[...])) - INV_T * jnp.sum(p_ref[...])
    o_ref[0, 0] = tot / N_EDGES


def _sc_body(emb_hbm, idx_hbm, out_s_hbm, out_p_hbm,
             idx_a, idx_b, idx_c, rows_a, rows_b, rows_c, os_v, op_v, emb_sp,
             isem_a, isem_b, isem_c, gsem_a, gsem_b, gsem_c):
    sid = lax.axis_index("s")
    wid = sid * NC + lax.axis_index("c")
    iota4 = lax.iota(jnp.int32, 16) * 4
    wbase = wid * EDGES_PER_WORKER

    rows_per_sub = N_NODES // NS
    pltpu.sync_copy(emb_hbm.at[pl.ds(sid * rows_per_sub, rows_per_sub)],
                    emb_sp.at[pl.ds(sid * rows_per_sub, rows_per_sub)])
    plsc.subcore_barrier()
    iota = lax.iota(jnp.int32, 16)
    row_base = [iota * ROWS_PER_EDGE + j for j in range(ROWS_PER_EDGE)]
    idx_bufs = (idx_a, idx_b, idx_c)
    rows_bufs = (rows_a, rows_b, rows_c)
    isems = (isem_a, isem_b, isem_c)
    gsems = (gsem_a, gsem_b, gsem_c)

    def fire_idx(c, slot):
        pltpu.async_copy(
            idx_hbm.at[pl.ds(wbase * ROWS_PER_EDGE + c * CHUNK_ROWS,
                             CHUNK_ROWS)],
            idx_bufs[slot], isems[slot])

    def wait_idx(slot):
        pltpu.make_async_copy(idx_hbm.at[pl.ds(0, CHUNK_ROWS)],
                              idx_bufs[slot], isems[slot]).wait()

    def fire_gather(slot):
        for i in range(CHUNK_ROWS // 128):
            sl = pl.ds(i * 128, 128)
            pltpu.async_copy(emb_sp.at[idx_bufs[slot].at[sl]],
                             rows_bufs[slot].at[sl], gsems[slot])
        rem = CHUNK_ROWS % 128
        if rem:
            sl = pl.ds(CHUNK_ROWS - rem, rem)
            pltpu.async_copy(emb_sp.at[idx_bufs[slot].at[sl]],
                             rows_bufs[slot].at[sl], gsems[slot])

    def wait_gather(slot):
        pltpu.make_async_copy(emb_hbm.at[pl.ds(0, CHUNK_ROWS)],
                              rows_bufs[slot], gsems[slot]).wait()

    def compute(c, slot):
        rows = rows_bufs[slot]
        npair = D_FEAT // 2
        zero_pair = jnp.zeros((2 * 16,), jnp.bfloat16)

        for g in range(CHUNK // 16):
            rv = [b + g * 16 * ROWS_PER_EDGE for b in row_base]

            def dbody(t, accs, rv=rv):
                out = list(accs)
                for u in range(UNROLL):
                    dv = (t * UNROLL + u + iota4) & (npair - 1)
                    sb = plsc.bitcast(plsc.load_gather(rows, [rv[0], dv]),
                                      jnp.bfloat16)
                    tb = plsc.bitcast(plsc.load_gather(rows, [rv[1], dv]),
                                      jnp.bfloat16)
                    out[0] = out[0] + sb * tb
                    for k in range(K_NEG):
                        nb = plsc.bitcast(
                            plsc.load_gather(rows, [rv[2 + k], dv]),
                            jnp.bfloat16)
                        out[1 + k] = out[1 + k] + sb * nb
                return tuple(out)

            accs = lax.fori_loop(0, npair // UNROLL, dbody,
                                 (zero_pair,) * (1 + K_NEG))

            def pair_sum(acc):
                even, odd = plsc.unpack(acc,
                                        format=plsc.PackFormat.INTERLEAVED,
                                        preferred_element_type=jnp.float32)
                return even + odd

            accs = [pair_sum(a) for a in accs]
            pos = accs[0]
            ssum = jnp.exp(pos * INV_T)
            for k in range(K_NEG):
                ssum = ssum + jnp.exp(accs[1 + k] * INV_T)
            os_v[pl.ds(c * CHUNK + g * 16, 16)] = ssum
            op_v[pl.ds(c * CHUNK + g * 16, 16)] = pos

    fire_idx(0, 0)
    fire_idx(1, 1)
    fire_idx(2, 2)
    wait_idx(0)
    fire_gather(0)
    wait_idx(1)
    fire_gather(1)

    n_full = (CHUNKS_PER_WORKER - 1) // NBUF

    def triple_body(i, carry):
        for par in range(NBUF):
            c = i * NBUF + par
            cur = par
            nxt = (par + 2) % NBUF
            wait_gather(cur)
            if par == 0:
                fire_idx(c + NBUF, cur)
            else:
                @pl.when(i < n_full - 1)
                def _():
                    fire_idx(c + NBUF, cur)
            if par == NBUF - 1:
                @pl.when(i < n_full - 1)
                def _():
                    wait_idx(nxt)
                    fire_gather(nxt)
            else:
                wait_idx(nxt)
                fire_gather(nxt)
            compute(c, cur)
        return carry

    lax.fori_loop(0, n_full, triple_body, 0)
    wait_gather(0)
    compute(CHUNKS_PER_WORKER - 1, 0)

    n_out = EDGES_PER_WORKER + EDGE_PAD
    pltpu.sync_copy(os_v, out_s_hbm.at[pl.ds(wbase, n_out)])
    pltpu.sync_copy(op_v, out_p_hbm.at[pl.ds(wbase, n_out)])


_sc_kernel = functools.partial(
    pl.kernel,
    out_type=(jax.ShapeDtypeStruct((N_EDGES + (512 if EDGE_PAD else 0),),
                                   jnp.float32),) * 2,
    mesh=plsc.VectorSubcoreMesh(core_axis_name="c", subcore_axis_name="s",
                                num_cores=NC, num_subcores=NS),
    scratch_types=(
        [pltpu.VMEM((CHUNK_ROWS,), jnp.int32)] * NBUF
        + [pltpu.VMEM((CHUNK_ROWS, D_FEAT // 2), jnp.float32)] * NBUF
        + [pltpu.VMEM((EDGES_PER_WORKER + EDGE_PAD,), jnp.float32)] * 2
        + [pltpu.VMEM_SHARED((N_NODES, D_FEAT // 2), jnp.float32)]
        + [pltpu.SemaphoreType.DMA] * (2 * NBUF)
    ),
    compiler_params=pltpu.CompilerParams(needs_layout_passes=False,
                                         use_tc_tiling_on_sc=False),
)(_sc_body)


def kernel(node_embeddings, edge_index, num_neg_samples):
    del num_neg_samples
    emb_bf16 = pl.pallas_call(
        _tc_normalize,
        out_shape=jax.ShapeDtypeStruct((N_NODES, D_FEAT), jnp.bfloat16),
    )(node_embeddings)
    emb = jax.lax.bitcast_convert_type(
        emb_bf16.reshape(N_NODES, D_FEAT // 2, 2), jnp.float32)

    src = edge_index[0].astype(jnp.int32)
    dst = edge_index[1].astype(jnp.int32)
    neg = jax.random.randint(jax.random.key(42), (N_EDGES, K_NEG), 0, N_NODES)
    idx_all = jnp.concatenate(
        [src[:, None], dst[:, None], neg.astype(jnp.int32)], axis=1
    ).reshape(-1)
    if EDGE_PAD:
        idx_all = jnp.pad(idx_all, (0, 256))

    s_sum, pos = _sc_kernel(emb, idx_all)
    if EDGE_PAD:
        s_sum = s_sum[:N_EDGES]
        pos = pos[:N_EDGES]

    loss2d = pl.pallas_call(
        _tc_finalize,
        out_shape=jax.ShapeDtypeStruct((1, 1), jnp.float32),
        out_specs=pl.BlockSpec(memory_space=pltpu.SMEM),
    )(s_sum.reshape(N_EDGES // 128, 128), pos.reshape(N_EDGES // 128, 128))
    return loss2d[0, 0]

# --- scband reference (transcript-rebuilt; emitter-appended) ---
"""Pipeline reference for scband-contrastive-loss-78675210928931 (READ-ONLY COPY).

The authoritative reference and input builder live on the scoring server;
editing this copy changes nothing except your own understanding.
"""

import jax, jax.numpy as jnp
import numpy as np

TEMPERATURE = 0.5
N_NODES = 10000
D_FEAT = 128
N_EDGES = 320000


def setup_inputs(seed: int = 0) -> dict:
    key = jax.random.key(seed)
    k1, k2 = jax.random.split(key)
    node_embeddings = jax.random.normal(k1, (N_NODES, D_FEAT), dtype=jnp.float32)
    edge_index = jax.random.randint(k2, (2, N_EDGES), 0, N_NODES)
    return {"node_embeddings": node_embeddings, "edge_index": edge_index, "num_neg_samples": 10}


def _l2_normalize(x, eps=1e-12):
    n = jnp.linalg.norm(x, ord=2, axis=-1, keepdims=True)
    return x / jnp.maximum(n, eps)


def reference(node_embeddings, edge_index, num_neg_samples):
    N = node_embeddings.shape[0]
    src = edge_index[0]
    dst = edge_index[1]
    E = src.shape[0]
    K = 10
    emb = _l2_normalize(node_embeddings)
    # positive similarity per edge
    pos_sim = jnp.sum(emb[src] * emb[dst], axis=-1)  # [E]
    # batch-wise negative sampling (deterministic key, mirrors torch.randint)
    neg_indices = jax.random.randint(jax.random.key(42), (E, K), 0, N)
    src_emb = emb[src]                 # [E, D]
    neg_emb = emb[neg_indices]         # [E, K, D]
    neg_sim = jnp.einsum('ed,ekd->ek', src_emb, neg_emb)  # [E, K] (bmm equivalent)
    logits = jnp.concatenate([pos_sim[:, None], neg_sim], axis=1) / TEMPERATURE  # [E, 1+K]
    # cross entropy with label 0 for every row
    lse = jax.scipy.special.logsumexp(logits, axis=1)
    loss = jnp.mean(lse - logits[:, 0])
    loss = loss + jnp.float32(0.0) * (num_neg_samples - K)
    return loss

if __name__ == "__main__":
    import jax
    _d = setup_inputs()
    print(jax.jit(kernel)(*tuple(_d.values())))

</pallas_src>

<mosaic_0001>
#map = affine_map<(d0, d1) -> (0, 0)>
#map1 = affine_map<(d0, d1) -> (0)>
module attributes {stable_mosaic.version = 14 : i64} {
  func.func @_sc_body(%arg0: i32, %arg1: i32, %arg2: memref<10000x64xf32, #tpu.memory_space<hbm>>, %arg3: memref<3840000xi32, #tpu.memory_space<hbm>>, %arg4: memref<320000xf32, #tpu.memory_space<hbm>>, %arg5: memref<320000xf32, #tpu.memory_space<hbm>>, %arg6: memref<192xi32, #tpu.memory_space<vmem>>, %arg7: memref<192xi32, #tpu.memory_space<vmem>>, %arg8: memref<192xi32, #tpu.memory_space<vmem>>, %arg9: memref<192x64xf32, #tpu.memory_space<vmem>>, %arg10: memref<192x64xf32, #tpu.memory_space<vmem>>, %arg11: memref<192x64xf32, #tpu.memory_space<vmem>>, %arg12: memref<10000xf32, #tpu.memory_space<vmem>>, %arg13: memref<10000xf32, #tpu.memory_space<vmem>>, %arg14: memref<10000x64xf32, #tpu.memory_space<vmem_shared>>, %arg15: memref<!tpu.dma_semaphore, #tpu.memory_space<semaphore_mem>>, %arg16: memref<!tpu.dma_semaphore, #tpu.memory_space<semaphore_mem>>, %arg17: memref<!tpu.dma_semaphore, #tpu.memory_space<semaphore_mem>>, %arg18: memref<!tpu.dma_semaphore, #tpu.memory_space<semaphore_mem>>, %arg19: memref<!tpu.dma_semaphore, #tpu.memory_space<semaphore_mem>>, %arg20: memref<!tpu.dma_semaphore, #tpu.memory_space<semaphore_mem>>) attributes {dimension_semantics = [#tpu.dimension_semantics<core_parallel>, #tpu.dimension_semantics<subcore_parallel>], iteration_bounds = array<i64: 2, 16>, scalar_prefetch = 0 : i64, scratch_operands = 15 : i64, tpu.core_type = #tpu.core_type<sc_vector_subcore>, window_params = [{transform_indices = #map}, {transform_indices = #map1}, {transform_indices = #map1}, {transform_indices = #map1}]} {
    %mul3A = arith.constant 2 : i32
    %mul3A_0 = arith.muli %arg1, %mul3A : i32
    %add3A = arith.addi %mul3A_0, %arg0 : i32
    %iota3A = tpu.iota {dimensions = array<i32: 0>} : vector<16xi32>
    %mul3A_1 = arith.constant 4 : i32
    %mul3A_2 = vector.broadcast %mul3A_1 : i32 to vector<16xi32>
    %mul3A_3 = arith.muli %iota3A, %mul3A_2 : vector<16xi32>
    %mul3A_4 = arith.constant 10000 : i32
    %mul3A_5 = arith.muli %add3A, %mul3A_4 : i32
    %mul3A_6 = arith.constant 625 : i32
    %mul3A_7 = arith.muli %arg1, %mul3A_6 : i32
    %mul3A_8 = arith.constant 625 : i32
    %mul3A_9 = arith.muli %arg1, %mul3A_8 : i32
    "tpu.region"() ({
      %run_scoped3A = tpu.sem_alloc : memref<!tpu.dma_semaphore, #tpu.memory_space<semaphore_mem>>
      %dma_start3A_281 = arith.constant 0 : i32
      %dma_start3A_282 = tpu.memref_slice %arg14[%mul3A_9, %dma_start3A_281] : memref<10000x64xf32, #tpu.memory_space<vmem_shared>> -> memref<625x64xf32, #tpu.memory_space<vmem_shared>>
      %dma_start3A_283 = arith.constant 0 : i32
      %dma_start3A_284 = tpu.memref_slice %arg2[%mul3A_7, %dma_start3A_283] : memref<10000x64xf32, #tpu.memory_space<hbm>> -> memref<625x64xf32, #tpu.memory_space<hbm>>
      tpu.enqueue_dma source(%dma_start3A_284 : memref<625x64xf32, #tpu.memory_space<hbm>>) target(%dma_start3A_282 : memref<625x64xf32, #tpu.memory_space<vmem_shared>>) target_semaphore(%run_scoped3A : memref<!tpu.dma_semaphore, #tpu.memory_space<semaphore_mem>>)
      %dma_wait3A_285 = arith.constant 0 : i32
      %dma_wait3A_286 = tpu.memref_slice %arg14[%mul3A_9, %dma_wait3A_285] : memref<10000x64xf32, #tpu.memory_space<vmem_shared>> -> memref<625x64xf32, #tpu.memory_space<vmem_shared>>
      %dma_wait3A_287 = arith.constant 0 : i32
      %dma_wait3A_288 = tpu.memref_slice %arg2[%mul3A_7, %dma_wait3A_287] : memref<10000x64xf32, #tpu.memory_space<hbm>> -> memref<625x64xf32, #tpu.memory_space<hbm>>
      tpu.wait_dma2 semaphore(%run_scoped3A : memref<!tpu.dma_semaphore, #tpu.memory_space<semaphore_mem>>) src(%dma_wait3A_288 : memref<625x64xf32, #tpu.memory_space<hbm>>) dst(%dma_wait3A_286 : memref<625x64xf32, #tpu.memory_space<vmem_shared>>)
      tpu.yield
    }) : () -> ()
    %barrier3A = arith.constant 0 : index
    tpu.barrier barrier_id(%barrier3A)
    %iota3A_10 = tpu.iota {dimensions = array<i32: 0>} : vector<16xi32>
    %mul3A_11 = arith.constant 12 : i32
    %mul3A_12 = vector.broadcast %mul3A_11 : i32 to vector<16xi32>
    %mul3A_13 = arith.muli %iota3A_10, %mul3A_12 : vector<16xi32>
    %add3A_14 = arith.constant 0 : i32
    %add3A_15 = vector.broadcast %add3A_14 : i32 to vector<16xi32>
    %add3A_16 = arith.addi %mul3A_13, %add3A_15 : vector<16xi32>
    %mul3A_17 = arith.constant 12 : i32
    %mul3A_18 = vector.broadcast %mul3A_17 : i32 to vector<16xi32>
    %mul3A_19 = arith.muli %iota3A_10, %mul3A_18 : vector<16xi32>
    %add3A_20 = arith.constant 1 : i32
    %add3A_21 = vector.broadcast %add3A_20 : i32 to vector<16xi32>
    %add3A_22 = arith.addi %mul3A_19, %add3A_21 : vector<16xi32>
    %mul3A_23 = arith.constant 12 : i32
    %mul3A_24 = vector.broadcast %mul3A_23 : i32 to vector<16xi32>
    %mul3A_25 = arith.muli %iota3A_10, %mul3A_24 : vector<16xi32>
    %add3A_26 = arith.constant 2 : i32
    %add3A_27 = vector.broadcast %add3A_26 : i32 to vector<16xi32>
    %add3A_28 = arith.addi %mul3A_25, %add3A_27 : vector<16xi32>
    %mul3A_29 = arith.constant 12 : i32
    %mul3A_30 = vector.broadcast %mul3A_29 : i32 to vector<16xi32>
    %mul3A_31 = arith.muli %iota3A_10, %mul3A_30 : vector<16xi32>
    %add3A_32 = arith.constant 3 : i32
    %add3A_33 = vector.broadcast %add3A_32 : i32 to vector<16xi32>
    %add3A_34 = arith.addi %mul3A_31, %add3A_33 : vector<16xi32>
    %mul3A_35 = arith.constant 12 : i32
    %mul3A_36 = vector.broadcast %mul3A_35 : i32 to vector<16xi32>
    %mul3A_37 = arith.muli %iota3A_10, %mul3A_36 : vector<16xi32>
    %add3A_38 = arith.constant 4 : i32
    %add3A_39 = vector.broadcast %add3A_38 : i32 to vector<16xi32>
    %add3A_40 = arith.addi %mul3A_37, %add3A_39 : vector<16xi32>
    %mul3A_41 = arith.constant 12 : i32
    %mul3A_42 = vector.broadcast %mul3A_41 : i32 to vector<16xi32>
    %mul3A_43 = arith.muli %iota3A_10, %mul3A_42 : vector<16xi32>
    %add3A_44 = arith.constant 5 : i32
    %add3A_45 = vector.broadcast %add3A_44 : i32 to vector<16xi32>
    %add3A_46 = arith.addi %mul3A_43, %add3A_45 : vector<16xi32>
    %mul3A_47 = arith.constant 12 : i32
    %mul3A_48 = vector.broadcast %mul3A_47 : i32 to vector<16xi32>
    %mul3A_49 = arith.muli %iota3A_10, %mul3A_48 : vector<16xi32>
    %add3A_50 = arith.constant 6 : i32
    %add3A_51 = vector.broadcast %add3A_50 : i32 to vector<16xi32>
    %add3A_52 = arith.addi %mul3A_49, %add3A_51 : vector<16xi32>
    %mul3A_53 = arith.constant 12 : i32
    %mul3A_54 = vector.broadcast %mul3A_53 : i32 to vector<16xi32>
    %mul3A_55 = arith.muli %iota3A_10, %mul3A_54 : vector<16xi32>
    %add3A_56 = arith.constant 7 : i32
    %add3A_57 = vector.broadcast %add3A_56 : i32 to vector<16xi32>
    %add3A_58 = arith.addi %mul3A_55, %add3A_57 : vector<16xi32>
    %mul3A_59 = arith.constant 12 : i32
    %mul3A_60 = vector.broadcast %mul3A_59 : i32 to vector<16xi32>
    %mul3A_61 = arith.muli %iota3A_10, %mul3A_60 : vector<16xi32>
    %add3A_62 = arith.constant 8 : i32
    %add3A_63 = vector.broadcast %add3A_62 : i32 to vector<16xi32>
    %add3A_64 = arith.addi %mul3A_61, %add3A_63 : vector<16xi32>
    %mul3A_65 = arith.constant 12 : i32
    %mul3A_66 = vector.broadcast %mul3A_65 : i32 to vector<16xi32>
    %mul3A_67 = arith.muli %iota3A_10, %mul3A_66 : vector<16xi32>
    %add3A_68 = arith.constant 9 : i32
    %add3A_69 = vector.broadcast %add3A_68 : i32 to vector<16xi32>
    %add3A_70 = arith.addi %mul3A_67, %add3A_69 : vector<16xi32>
    %mul3A_71 = arith.constant 12 : i32
    %mul3A_72 = vector.broadcast %mul3A_71 : i32 to vector<16xi32>
    %mul3A_73 = arith.muli %iota3A_10, %mul3A_72 : vector<16xi32>
    %add3A_74 = arith.constant 10 : i32
    %add3A_75 = vector.broadcast %add3A_74 : i32 to vector<16xi32>
    %add3A_76 = arith.addi %mul3A_73, %add3A_75 : vector<16xi32>
    %mul3A_77 = arith.constant 12 : i32
    %mul3A_78 = vector.broadcast %mul3A_77 : i32 to vector<16xi32>
    %mul3A_79 = arith.muli %iota3A_10, %mul3A_78 : vector<16xi32>
    %add3A_80 = arith.constant 11 : i32
    %add3A_81 = vector.broadcast %add3A_80 : i32 to vector<16xi32>
    %add3A_82 = arith.addi %mul3A_79, %add3A_81 : vector<16xi32>
    %mul3A_83 = arith.constant 12 : i32
    %mul3A_84 = arith.muli %mul3A_5, %mul3A_83 : i32
    %add3A_85 = arith.constant 0 : i32
    %add3A_86 = arith.addi %mul3A_84, %add3A_85 : i32
    %dma_start3A = tpu.memref_slice %arg3[%add3A_86] : memref<3840000xi32, #tpu.memory_space<hbm>> -> memref<192xi32, #tpu.memory_space<hbm>>
    %dma_start3A_87 = tpu.memref_slice %arg3[%add3A_86] : memref<3840000xi32, #tpu.memory_space<hbm>> -> memref<192xi32, #tpu.memory_space<hbm>>
    tpu.enqueue_dma source(%dma_start3A_87 : memref<192xi32, #tpu.memory_space<hbm>>) target(%arg6 : memref<192xi32, #tpu.memory_space<vmem>>) target_semaphore(%arg15 : memref<!tpu.dma_semaphore, #tpu.memory_space<semaphore_mem>>)
    %mul3A_88 = arith.constant 12 : i32
    %mul3A_89 = arith.muli %mul3A_5, %mul3A_88 : i32
    %add3A_90 = arith.constant 192 : i32
    %add3A_91 = arith.addi %mul3A_89, %add3A_90 : i32
    %dma_start3A_92 = tpu.memref_slice %arg3[%add3A_91] : memref<3840000xi32, #tpu.memory_space<hbm>> -> memref<192xi32, #tpu.memory_space<hbm>>
    %dma_start3A_93 = tpu.memref_slice %arg3[%add3A_91] : memref<3840000xi32, #tpu.memory_space<hbm>> -> memref<192xi32, #tpu.memory_space<hbm>>
    tpu.enqueue_dma source(%dma_start3A_93 : memref<192xi32, #tpu.memory_space<hbm>>) target(%arg7 : memref<192xi32, #tpu.memory_space<vmem>>) target_semaphore(%arg16 : memref<!tpu.dma_semaphore, #tpu.memory_space<semaphore_mem>>)
    %mul3A_94 = arith.constant 12 : i32
    %mul3A_95 = arith.muli %mul3A_5, %mul3A_94 : i32
    %add3A_96 = arith.constant 384 : i32
    %add3A_97 = arith.addi %mul3A_95, %add3A_96 : i32
    %dma_start3A_98 = tpu.memref_slice %arg3[%add3A_97] : memref<3840000xi32, #tpu.memory_space<hbm>> -> memref<192xi32, #tpu.memory_space<hbm>>
    %dma_start3A_99 = tpu.memref_slice %arg3[%add3A_97] : memref<3840000xi32, #tpu.memory_space<hbm>> -> memref<192xi32, #tpu.memory_space<hbm>>
    tpu.enqueue_dma source(%dma_start3A_99 : memref<192xi32, #tpu.memory_space<hbm>>) target(%arg8 : memref<192xi32, #tpu.memory_space<vmem>>) target_semaphore(%arg17 : memref<!tpu.dma_semaphore, #tpu.memory_space<semaphore_mem>>)
    %dma_wait3A = arith.constant 0 : i32
    %dma_wait3A_100 = tpu.memref_slice %arg3[%dma_wait3A] : memref<3840000xi32, #tpu.memory_space<hbm>> -> memref<192xi32, #tpu.memory_space<hbm>>
    %dma_wait3A_101 = arith.constant 0 : i32
    %dma_wait3A_102 = tpu.memref_slice %arg3[%dma_wait3A_101] : memref<3840000xi32, #tpu.memory_space<hbm>> -> memref<192xi32, #tpu.memory_space<hbm>>
    tpu.wait_dma2 semaphore(%arg15 : memref<!tpu.dma_semaphore, #tpu.memory_space<semaphore_mem>>) src(%dma_wait3A_102 : memref<192xi32, #tpu.memory_space<hbm>>) dst(%arg6 : memref<192xi32, #tpu.memory_space<vmem>>)
    %dma_start3A_103 = arith.constant 0 : i32
    %dma_start3A_104 = arith.constant 0 : i32
    %dma_start3A_105 = tpu.memref_slice %arg9[%dma_start3A_103, %dma_start3A_104] : memref<192x64xf32, #tpu.memory_space<vmem>> -> memref<128x64xf32, #tpu.memory_space<vmem>>
    %dma_start3A_106 = arith.constant 0 : i32
    %dma_start3A_107 = tpu.memref_slice %arg6[%dma_start3A_106] : memref<192xi32, #tpu.memory_space<vmem>> -> memref<128xi32, #tpu.memory_space<vmem>>
    %dma_start3A_108 = arith.constant 0 : i32
    %dma_start3A_109 = arith.constant 0 : i32
    %dma_start3A_110 = tpu.memref_slice %arg14[%dma_start3A_108, %dma_start3A_109] : memref<10000x64xf32, #tpu.memory_space<vmem_shared>> -> memref<10000x64xf32, #tpu.memory_space<vmem_shared>>
    tpu.enqueue_indirect_dma source(%dma_start3A_110 : memref<10000x64xf32, #tpu.memory_space<vmem_shared>>) target(%dma_start3A_105 : memref<128x64xf32, #tpu.memory_space<vmem>>) offsets(%dma_start3A_107 : memref<128xi32, #tpu.memory_space<vmem>>) semaphore(%arg18 : memref<!tpu.dma_semaphore, #tpu.memory_space<semaphore_mem>>)
    %dma_start3A_111 = arith.constant 128 : i32
    %dma_start3A_112 = arith.constant 0 : i32
    %dma_start3A_113 = tpu.memref_slice %arg9[%dma_start3A_111, %dma_start3A_112] : memref<192x64xf32, #tpu.memory_space<vmem>> -> memref<64x64xf32, #tpu.memory_space<vmem>>
    %dma_start3A_114 = arith.constant 128 : i32
    %dma_start3A_115 = tpu.memref_slice %arg6[%dma_start3A_114] : memref<192xi32, #tpu.memory_space<vmem>> -> memref<64xi32, #tpu.memory_space<vmem>>
    %dma_start3A_116 = arith.constant 0 : i32
    %dma_start3A_117 = arith.constant 0 : i32
    %dma_start3A_118 = tpu.memref_slice %arg14[%dma_start3A_116, %dma_start3A_117] : memref<10000x64xf32, #tpu.memory_space<vmem_shared>> -> memref<10000x64xf32, #tpu.memory_space<vmem_shared>>
    tpu.enqueue_indirect_dma source(%dma_start3A_118 : memref<10000x64xf32, #tpu.memory_space<vmem_shared>>) target(%dma_start3A_113 : memref<64x64xf32, #tpu.memory_space<vmem>>) offsets(%dma_start3A_115 : memref<64xi32, #tpu.memory_space<vmem>>) semaphore(%arg18 : memref<!tpu.dma_semaphore, #tpu.memory_space<semaphore_mem>>)
    %dma_wait3A_119 = arith.constant 0 : i32
    %dma_wait3A_120 = tpu.memref_slice %arg3[%dma_wait3A_119] : memref<3840000xi32, #tpu.memory_space<hbm>> -> memref<192xi32, #tpu.memory_space<hbm>>
    %dma_wait3A_121 = arith.constant 0 : i32
    %dma_wait3A_122 = tpu.memref_slice %arg3[%dma_wait3A_121] : memref<3840000xi32, #tpu.memory_space<hbm>> -> memref<192xi32, #tpu.memory_space<hbm>>
    tpu.wait_dma2 semaphore(%arg16 : memref<!tpu.dma_semaphore, #tpu.memory_space<semaphore_mem>>) src(%dma_wait3A_122 : memref<192xi32, #tpu.memory_space<hbm>>) dst(%arg7 : memref<192xi32, #tpu.memory_space<vmem>>)
    %dma_start3A_123 = arith.constant 0 : i32
    %dma_start3A_124 = arith.constant 0 : i32
    %dma_start3A_125 = tpu.memref_slice %arg10[%dma_start3A_123, %dma_start3A_124] : memref<192x64xf32, #tpu.memory_space<vmem>> -> memref<128x64xf32, #tpu.memory_space<vmem>>
    %dma_start3A_126 = arith.constant 0 : i32
    %dma_start3A_127 = tpu.memref_slice %arg7[%dma_start3A_126] : memref<192xi32, #tpu.memory_space<vmem>> -> memref<128xi32, #tpu.memory_space<vmem>>
    %dma_start3A_128 = arith.constant 0 : i32
    %dma_start3A_129 = arith.constant 0 : i32
    %dma_start3A_130 = tpu.memref_slice %arg14[%dma_start3A_128, %dma_start3A_129] : memref<10000x64xf32, #tpu.memory_space<vmem_shared>> -> memref<10000x64xf32, #tpu.memory_space<vmem_shared>>
    tpu.enqueue_indirect_dma source(%dma_start3A_130 : memref<10000x64xf32, #tpu.memory_space<vmem_shared>>) target(%dma_start3A_125 : memref<128x64xf32, #tpu.memory_space<vmem>>) offsets(%dma_start3A_127 : memref<128xi32, #tpu.memory_space<vmem>>) semaphore(%arg19 : memref<!tpu.dma_semaphore, #tpu.memory_space<semaphore_mem>>)
    %dma_start3A_131 = arith.constant 128 : i32
    %dma_start3A_132 = arith.constant 0 : i32
    %dma_start3A_133 = tpu.memref_slice %arg10[%dma_start3A_131, %dma_start3A_132] : memref<192x64xf32, #tpu.memory_space<vmem>> -> memref<64x64xf32, #tpu.memory_space<vmem>>
    %dma_start3A_134 = arith.constant 128 : i32
    %dma_start3A_135 = tpu.memref_slice %arg7[%dma_start3A_134] : memref<192xi32, #tpu.memory_space<vmem>> -> memref<64xi32, #tpu.memory_space<vmem>>
    %dma_start3A_136 = arith.constant 0 : i32
    %dma_start3A_137 = arith.constant 0 : i32
    %dma_start3A_138 = tpu.memref_slice %arg14[%dma_start3A_136, %dma_start3A_137] : memref<10000x64xf32, #tpu.memory_space<vmem_shared>> -> memref<10000x64xf32, #tpu.memory_space<vmem_shared>>
    tpu.enqueue_indirect_dma source(%dma_start3A_138 : memref<10000x64xf32, #tpu.memory_space<vmem_shared>>) target(%dma_start3A_133 : memref<64x64xf32, #tpu.memory_space<vmem>>) offsets(%dma_start3A_135 : memref<64xi32, #tpu.memory_space<vmem>>) semaphore(%arg19 : memref<!tpu.dma_semaphore, #tpu.memory_space<semaphore_mem>>)
    %scan3A = arith.constant 0 : i32
    %scan3A_139 = arith.constant 0 : i32
    %scan3A_140 = arith.constant 208 : i32
    %scan3A_141 = arith.addi %scan3A_139, %scan3A_140 : i32
    %scan3A_142 = arith.constant 1 : i32
    scf.for %scan3A_281 = %scan3A_139 to %scan3A_141 step %scan3A_142  : i32 {
      %mul3A_282 = arith.constant 3 : i32
      %mul3A_283 = arith.muli %scan3A_281, %mul3A_282 : i32
      %add3A_284 = arith.constant 0 : i32
      %add3A_285 = arith.addi %mul3A_283, %add3A_284 : i32
      %dma_wait3A_286 = arith.constant 0 : i32
      %dma_wait3A_287 = arith.constant 0 : i32
      %dma_wait3A_288 = tpu.memref_slice %arg2[%dma_wait3A_286, %dma_wait3A_287] : memref<10000x64xf32, #tpu.memory_space<hbm>> -> memref<192x64xf32, #tpu.memory_space<hbm>>
      %dma_wait3A_289 = arith.constant 0 : i32
      %dma_wait3A_290 = arith.constant 0 : i32
      %dma_wait3A_291 = tpu.memref_slice %arg2[%dma_wait3A_289, %dma_wait3A_290] : memref<10000x64xf32, #tpu.memory_space<hbm>> -> memref<192x64xf32, #tpu.memory_space<hbm>>
      tpu.wait_dma2 semaphore(%arg18 : memref<!tpu.dma_semaphore, #tpu.memory_space<semaphore_mem>>) src(%dma_wait3A_291 : memref<192x64xf32, #tpu.memory_space<hbm>>) dst(%arg9 : memref<192x64xf32, #tpu.memory_space<vmem>>)
      %add3A_292 = arith.constant 3 : i32
      %add3A_293 = arith.addi %add3A_285, %add3A_292 : i32
      %mul3A_294 = arith.constant 12 : i32
      %mul3A_295 = arith.muli %mul3A_5, %mul3A_294 : i32
      %mul3A_296 = arith.constant 192 : i32
      %mul3A_297 = arith.muli %add3A_293, %mul3A_296 : i32
      %add3A_298 = arith.addi %mul3A_295, %mul3A_297 : i32
      %dma_start3A_299 = tpu.memref_slice %arg3[%add3A_298] : memref<3840000xi32, #tpu.memory_space<hbm>> -> memref<192xi32, #tpu.memory_space<hbm>>
      %dma_start3A_300 = tpu.memref_slice %arg3[%add3A_298] : memref<3840000xi32, #tpu.memory_space<hbm>> -> memref<192xi32, #tpu.memory_space<hbm>>
      tpu.enqueue_dma source(%dma_start3A_300 : memref<192xi32, #tpu.memory_space<hbm>>) target(%arg6 : memref<192xi32, #tpu.memory_space<vmem>>) target_semaphore(%arg15 : memref<!tpu.dma_semaphore, #tpu.memory_space<semaphore_mem>>)
      %dma_wait3A_301 = arith.constant 0 : i32
      %dma_wait3A_302 = tpu.memref_slice %arg3[%dma_wait3A_301] : memref<3840000xi32, #tpu.memory_space<hbm>> -> memref<192xi32, #tpu.memory_space<hbm>>
      %dma_wait3A_303 = arith.constant 0 : i32
      %dma_wait3A_304 = tpu.memref_slice %arg3[%dma_wait3A_303] : memref<3840000xi32, #tpu.memory_space<hbm>> -> memref<192xi32, #tpu.memory_space<hbm>>
      tpu.wait_dma2 semaphore(%arg17 : memref<!tpu.dma_semaphore, #tpu.memory_space<semaphore_mem>>) src(%dma_wait3A_304 : memref<192xi32, #tpu.memory_space<hbm>>) dst(%arg8 : memref<192xi32, #tpu.memory_space<vmem>>)
      %dma_start3A_305 = arith.constant 0 : i32
      %dma_start3A_306 = arith.constant 0 : i32
      %dma_start3A_307 = tpu.memref_slice %arg11[%dma_start3A_305, %dma_start3A_306] : memref<192x64xf32, #tpu.memory_space<vmem>> -> memref<128x64xf32, #tpu.memory_space<vmem>>
      %dma_start3A_308 = arith.constant 0 : i32
      %dma_start3A_309 = tpu.memref_slice %arg8[%dma_start3A_308] : memref<192xi32, #tpu.memory_space<vmem>> -> memref<128xi32, #tpu.memory_space<vmem>>
      %dma_start3A_310 = arith.constant 0 : i32
      %dma_start3A_311 = arith.constant 0 : i32
      %dma_start3A_312 = tpu.memref_slice %arg14[%dma_start3A_310, %dma_start3A_311] : memref<10000x64xf32, #tpu.memory_space<vmem_shared>> -> memref<10000x64xf32, #tpu.memory_space<vmem_shared>>
      tpu.enqueue_indirect_dma source(%dma_start3A_312 : memref<10000x64xf32, #tpu.memory_space<vmem_shared>>) target(%dma_start3A_307 : memref<128x64xf32, #tpu.memory_space<vmem>>) offsets(%dma_start3A_309 : memref<128xi32, #tpu.memory_space<vmem>>) semaphore(%arg20 : memref<!tpu.dma_semaphore, #tpu.memory_space<semaphore_mem>>)
      %dma_start3A_313 = arith.constant 128 : i32
      %dma_start3A_314 = arith.constant 0 : i32
      %dma_start3A_315 = tpu.memref_slice %arg11[%dma_start3A_313, %dma_start3A_314] : memref<192x64xf32, #tpu.memory_space<vmem>> -> memref<64x64xf32, #tpu.memory_space<vmem>>
      %dma_start3A_316 = arith.constant 128 : i32
      %dma_start3A_317 = tpu.memref_slice %arg8[%dma_start3A_316] : memref<192xi32, #tpu.memory_space<vmem>> -> memref<64xi32, #tpu.memory_space<vmem>>
      %dma_start3A_318 = arith.constant 0 : i32
      %dma_start3A_319 = arith.constant 0 : i32
      %dma_start3A_320 = tpu.memref_slice %arg14[%dma_start3A_318, %dma_start3A_319] : memref<10000x64xf32, #tpu.memory_space<vmem_shared>> -> memref<10000x64xf32, #tpu.memory_space<vmem_shared>>
      tpu.enqueue_indirect_dma source(%dma_start3A_320 : memref<10000x64xf32, #tpu.memory_space<vmem_shared>>) target(%dma_start3A_315 : memref<64x64xf32, #tpu.memory_space<vmem>>) offsets(%dma_start3A_317 : memref<64xi32, #tpu.memory_space<vmem>>) semaphore(%arg20 : memref<!tpu.dma_semaphore, #tpu.memory_space<semaphore_mem>>)
      %broadcast_in_dim3A_321 = arith.constant 0.000000e+00 : bf16
      %broadcast_in_dim3A_322 = vector.broadcast %broadcast_in_dim3A_321 : bf16 to vector<32xbf16>
      %add3A_323 = arith.constant 0 : i32
      %add3A_324 = vector.broadcast %add3A_323 : i32 to vector<16xi32>
      %add3A_325 = arith.addi %add3A_16, %add3A_324 : vector<16xi32>
      %add3A_326 = arith.constant 0 : i32
      %add3A_327 = vector.broadcast %add3A_326 : i32 to vector<16xi32>
      %add3A_328 = arith.addi %add3A_22, %add3A_327 : vector<16xi32>
      %add3A_329 = arith.constant 0 : i32
      %add3A_330 = vector.broadcast %add3A_329 : i32 to vector<16xi32>
      %add3A_331 = arith.addi %add3A_28, %add3A_330 : vector<16xi32>
      %add3A_332 = arith.constant 0 : i32
      %add3A_333 = vector.broadcast %add3A_332 : i32 to vector<16xi32>
      %add3A_334 = arith.addi %add3A_34, %add3A_333 : vector<16xi32>
      %add3A_335 = arith.constant 0 : i32
      %add3A_336 = vector.broadcast %add3A_335 : i32 to vector<16xi32>
      %add3A_337 = arith.addi %add3A_40, %add3A_336 : vector<16xi32>
      %add3A_338 = arith.constant 0 : i32
      %add3A_339 = vector.broadcast %add3A_338 : i32 to vector<16xi32>
      %add3A_340 = arith.addi %add3A_46, %add3A_339 : vector<16xi32>
      %add3A_341 = arith.constant 0 : i32
      %add3A_342 = vector.broadcast %add3A_341 : i32 to vector<16xi32>
      %add3A_343 = arith.addi %add3A_52, %add3A_342 : vector<16xi32>
      %add3A_344 = arith.constant 0 : i32
      %add3A_345 = vector.broadcast %add3A_344 : i32 to vector<16xi32>
      %add3A_346 = arith.addi %add3A_58, %add3A_345 : vector<16xi32>
      %add3A_347 = arith.constant 0 : i32
      %add3A_348 = vector.broadcast %add3A_347 : i32 to vector<16xi32>
      %add3A_349 = arith.addi %add3A_64, %add3A_348 : vector<16xi32>
      %add3A_350 = arith.constant 0 : i32
      %add3A_351 = vector.broadcast %add3A_350 : i32 to vector<16xi32>
      %add3A_352 = arith.addi %add3A_70, %add3A_351 : vector<16xi32>
      %add3A_353 = arith.constant 0 : i32
      %add3A_354 = vector.broadcast %add3A_353 : i32 to vector<16xi32>
      %add3A_355 = arith.addi %add3A_76, %add3A_354 : vector<16xi32>
      %add3A_356 = arith.constant 0 : i32
      %add3A_357 = vector.broadcast %add3A_356 : i32 to vector<16xi32>
      %add3A_358 = arith.addi %add3A_82, %add3A_357 : vector<16xi32>
      %scan3A_359 = arith.constant 0 : i32
      %scan3A_360 = arith.constant 64 : i32
      %scan3A_361 = arith.addi %scan3A_359, %scan3A_360 : i32
      %scan3A_362 = arith.constant 1 : i32
      %scan3A_363:11 = scf.for %scan3A_802 = %scan3A_359 to %scan3A_361 step %scan3A_362 iter_args(%scan3A_803 = %broadcast_in_dim3A_322, %scan3A_804 = %broadcast_in_dim3A_322, %scan3A_805 = %broadcast_in_dim3A_322, %scan3A_806 = %broadcast_in_dim3A_322, %scan3A_807 = %broadcast_in_dim3A_322, %scan3A_808 = %broadcast_in_dim3A_322, %scan3A_809 = %broadcast_in_dim3A_322, %scan3A_810 = %broadcast_in_dim3A_322, %scan3A_811 = %broadcast_in_dim3A_322, %scan3A_812 = %broadcast_in_dim3A_322, %scan3A_813 = %broadcast_in_dim3A_322) -> (vector<32xbf16>, vector<32xbf16>, vector<32xbf16>, vector<32xbf16>, vector<32xbf16>, vector<32xbf16>, vector<32xbf16>, vector<32xbf16>, vector<32xbf16>, vector<32xbf16>, vector<32xbf16>)  : i32 {
        %mul3A_814 = arith.constant 1 : i32
        %mul3A_815 = arith.muli %scan3A_802, %mul3A_814 : i32
        %add3A_816 = arith.constant 0 : i32
        %add3A_817 = arith.addi %mul3A_815, %add3A_816 : i32
        %add3A_818 = vector.broadcast %add3A_817 : i32 to vector<16xi32>
        %add3A_819 = arith.addi %add3A_818, %mul3A_3 : vector<16xi32>
        %and3A = arith.constant 63 : i32
        %and3A_820 = vector.broadcast %and3A : i32 to vector<16xi32>
        %and3A_821 = arith.andi %add3A_819, %and3A_820 : vector<16xi32>
        %gather3A = tpu.vector_load_idx %arg9[%add3A_325, %and3A_821] : memref<192x64xf32, #tpu.memory_space<vmem>>[vector<16xi32>, vector<16xi32>], vector<16xf32>,
        %bitcast3A = vector.bitcast %gather3A : vector<16xf32> to vector<32xbf16>
        %gather3A_822 = tpu.vector_load_idx %arg9[%add3A_328, %and3A_821] : memref<192x64xf32, #tpu.memory_space<vmem>>[vector<16xi32>, vector<16xi32>], vector<16xf32>,
        %bitcast3A_823 = vector.bitcast %gather3A_822 : vector<16xf32> to vector<32xbf16>
        %mul3A_824 = arith.mulf %bitcast3A, %bitcast3A_823 : vector<32xbf16>
        %add3A_825 = arith.addf %scan3A_803, %mul3A_824 : vector<32xbf16>
        %gather3A_826 = tpu.vector_load_idx %arg9[%add3A_331, %and3A_821] : memref<192x64xf32, #tpu.memory_space<vmem>>[vector<16xi32>, vector<16xi32>], vector<16xf32>,
        %bitcast3A_827 = vector.bitcast %gather3A_826 : vector<16xf32> to vector<32xbf16>
        %mul3A_828 = arith.mulf %bitcast3A, %bitcast3A_827 : vector<32xbf16>
        %add3A_829 = arith.addf %scan3A_804, %mul3A_828 : vector<32xbf16>
        %gather3A_830 = tpu.vector_load_idx %arg9[%add3A_334, %and3A_821] : memref<192x64xf32, #tpu.memory_space<vmem>>[vector<16xi32>, vector<16xi32>], vector<16xf32>,
        %bitcast3A_831 = vector.bitcast %gather3A_830 : vector<16xf32> to vector<32xbf16>
        %mul3A_832 = arith.mulf %bitcast3A, %bitcast3A_831 : vector<32xbf16>
        %add3A_833 = arith.addf %scan3A_805, %mul3A_832 : vector<32xbf16>
        %gather3A_834 = tpu.vector_load_idx %arg9[%add3A_337, %and3A_821] : memref<192x64xf32, #tpu.memory_space<vmem>>[vector<16xi32>, vector<16xi32>], vector<16xf32>,
        %bitcast3A_835 = vector.bitcast %gather3A_834 : vector<16xf32> to vector<32xbf16>
        %mul3A_836 = arith.mulf %bitcast3A, %bitcast3A_835 : vector<32xbf16>
        %add3A_837 = arith.addf %scan3A_806, %mul3A_836 : vector<32xbf16>
        %gather3A_838 = tpu.vector_load_idx %arg9[%add3A_340, %and3A_821] : memref<192x64xf32, #tpu.memory_space<vmem>>[vector<16xi32>, vector<16xi32>], vector<16xf32>,
        %bitcast3A_839 = vector.bitcast %gather3A_838 : vector<16xf32> to vector<32xbf16>
        %mul3A_840 = arith.mulf %bitcast3A, %bitcast3A_839 : vector<32xbf16>
        %add3A_841 = arith.addf %scan3A_807, %mul3A_840 : vector<32xbf16>
        %gather3A_842 = tpu.vector_load_idx %arg9[%add3A_343, %and3A_821] : memref<192x64xf32, #tpu.memory_space<vmem>>[vector<16xi32>, vector<16xi32>], vector<16xf32>,
        %bitcast3A_843 = vector.bitcast %gather3A_842 : vector<16xf32> to vector<32xbf16>
        %mul3A_844 = arith.mulf %bitcast3A, %bitcast3A_843 : vector<32xbf16>
        %add3A_845 = arith.addf %scan3A_808, %mul3A_844 : vector<32xbf16>
        %gather3A_846 = tpu.vector_load_idx %arg9[%add3A_346, %and3A_821] : memref<192x64xf32, #tpu.memory_space<vmem>>[vector<16xi32>, vector<16xi32>], vector<16xf32>,
        %bitcast3A_847 = vector.bitcast %gather3A_846 : vector<16xf32> to vector<32xbf16>
        %mul3A_848 = arith.mulf %bitcast3A, %bitcast3A_847 : vector<32xbf16>
        %add3A_849 = arith.addf %scan3A_809, %mul3A_848 : vector<32xbf16>
        %gather3A_850 = tpu.vector_load_idx %arg9[%add3A_349, %and3A_821] : memref<192x64xf32, #tpu.memory_space<vmem>>[vector<16xi32>, vector<16xi32>], vector<16xf32>,
        %bitcast3A_851 = vector.bitcast %gather3A_850 : vector<16xf32> to vector<32xbf16>
        %mul3A_852 = arith.mulf %bitcast3A, %bitcast3A_851 : vector<32xbf16>
        %add3A_853 = arith.addf %scan3A_810, %mul3A_852 : vector<32xbf16>
        %gather3A_854 = tpu.vector_load_idx %arg9[%add3A_352, %and3A_821] : memref<192x64xf32, #tpu.memory_space<vmem>>[vector<16xi32>, vector<16xi32>], vector<16xf32>,
        %bitcast3A_855 = vector.bitcast %gather3A_854 : vector<16xf32> to vector<32xbf16>
        %mul3A_856 = arith.mulf %bitcast3A, %bitcast3A_855 : vector<32xbf16>
        %add3A_857 = arith.addf %scan3A_811, %mul3A_856 : vector<32xbf16>
        %gather3A_858 = tpu.vector_load_idx %arg9[%add3A_355, %and3A_821] : memref<192x64xf32, #tpu.memory_space<vmem>>[vector<16xi32>, vector<16xi32>], vector<16xf32>,
        %bitcast3A_859 = vector.bitcast %gather3A_858 : vector<16xf32> to vector<32xbf16>
        %mul3A_860 = arith.mulf %bitcast3A, %bitcast3A_859 : vector<32xbf16>
        %add3A_861 = arith.addf %scan3A_812, %mul3A_860 : vector<32xbf16>
        %gather3A_862 = tpu.vector_load_idx %arg9[%add3A_358, %and3A_821] : memref<192x64xf32, #tpu.memory_space<vmem>>[vector<16xi32>, vector<16xi32>], vector<16xf32>,
        %bitcast3A_863 = vector.bitcast %gather3A_862 : vector<16xf32> to vector<32xbf16>
        %mul3A_864 = arith.mulf %bitcast3A, %bitcast3A_863 : vector<32xbf16>
        %add3A_865 = arith.addf %scan3A_813, %mul3A_864 : vector<32xbf16>
        scf.yield %add3A_825, %add3A_829, %add3A_833, %add3A_837, %add3A_841, %add3A_845, %add3A_849, %add3A_853, %add3A_857, %add3A_861, %add3A_865 : vector<32xbf16>, vector<32xbf16>, vector<32xbf16>, vector<32xbf16>, vector<32xbf16>, vector<32xbf16>, vector<32xbf16>, vector<32xbf16>, vector<32xbf16>, vector<32xbf16>, vector<32xbf16>
      }
      %scan3A_364 = arith.constant 64 : i32
      %unpack3A_365 = tpu.unpack_subelements %scan3A_363#0, 0 {pack_format = #tpu.pack_format<interleaved>} : vector<32xbf16> -> vector<16xf32>
      %unpack3A_366 = tpu.unpack_subelements %scan3A_363#0, 1 {pack_format = #tpu.pack_format<interleaved>} : vector<32xbf16> -> vector<16xf32>
      %add3A_367 = arith.addf %unpack3A_365, %unpack3A_366 : vector<16xf32>
      %unpack3A_368 = tpu.unpack_subelements %scan3A_363#1, 0 {pack_format = #tpu.pack_format<interleaved>} : vector<32xbf16> -> vector<16xf32>
      %unpack3A_369 = tpu.unpack_subelements %scan3A_363#1, 1 {pack_format = #tpu.pack_format<interleaved>} : vector<32xbf16> -> vector<16xf32>
      %add3A_370 = arith.addf %unpack3A_368, %unpack3A_369 : vector<16xf32>
      %unpack3A_371 = tpu.unpack_subelements %scan3A_363#2, 0 {pack_format = #tpu.pack_format<interleaved>} : vector<32xbf16> -> vector<16xf32>
      %unpack3A_372 = tpu.unpack_subelements %scan3A_363#2, 1 {pack_format = #tpu.pack_format<interleaved>} : vector<32xbf16> -> vector<16xf32>
      %add3A_373 = arith.addf %unpack3A_371, %unpack3A_372 : vector<16xf32>
      %unpack3A_374 = tpu.unpack_subelements %scan3A_363#3, 0 {pack_format = #tpu.pack_format<interleaved>} : vector<32xbf16> -> vector<16xf32>
      %unpack3A_375 = tpu.unpack_subelements %scan3A_363#3, 1 {pack_format = #tpu.pack_format<interleaved>} : vector<32xbf16> -> vector<16xf32>
      %add3A_376 = arith.addf %unpack3A_374, %unpack3A_375 : vector<16xf32>
      %unpack3A_377 = tpu.unpack_subelements %scan3A_363#4, 0 {pack_format = #tpu.pack_format<interleaved>} : vector<32xbf16> -> vector<16xf32>
      %unpack3A_378 = tpu.unpack_subelements %scan3A_363#4, 1 {pack_format = #tpu.pack_format<interleaved>} : vector<32xbf16> -> vector<16xf32>
      %add3A_379 = arith.addf %unpack3A_377, %unpack3A_378 : vector<16xf32>
      %unpack3A_380 = tpu.unpack_subelements %scan3A_363#5, 0 {pack_format = #tpu.pack_format<interleaved>} : vector<32xbf16> -> vector<16xf32>
      %unpack3A_381 = tpu.unpack_subelements %scan3A_363#5, 1 {pack_format = #tpu.pack_format<interleaved>} : vector<32xbf16> -> vector<16xf32>
      %add3A_382 = arith.addf %unpack3A_380, %unpack3A_381 : vector<16xf32>
      %unpack3A_383 = tpu.unpack_subelements %scan3A_363#6, 0 {pack_format = #tpu.pack_format<interleaved>} : vector<32xbf16> -> vector<16xf32>
      %unpack3A_384 = tpu.unpack_subelements %scan3A_363#6, 1 {pack_format = #tpu.pack_format<interleaved>} : vector<32xbf16> -> vector<16xf32>
      %add3A_385 = arith.addf %unpack3A_383, %unpack3A_384 : vector<16xf32>
      %unpack3A_386 = tpu.unpack_subelements %scan3A_363#7, 0 {pack_format = #tpu.pack_format<interleaved>} : vector<32xbf16> -> vector<16xf32>
      %unpack3A_387 = tpu.unpack_subelements %scan3A_363#7, 1 {pack_format = #tpu.pack_format<interleaved>} : vector<32xbf16> -> vector<16xf32>
      %add3A_388 = arith.addf %unpack3A_386, %unpack3A_387 : vector<16xf32>
      %unpack3A_389 = tpu.unpack_subelements %scan3A_363#8, 0 {pack_format = #tpu.pack_format<interleaved>} : vector<32xbf16> -> vector<16xf32>
      %unpack3A_390 = tpu.unpack_subelements %scan3A_363#8, 1 {pack_format = #tpu.pack_format<interleaved>} : vector<32xbf16> -> vector<16xf32>
      %add3A_391 = arith.addf %unpack3A_389, %unpack3A_390 : vector<16xf32>
      %unpack3A_392 = tpu.unpack_subelements %scan3A_363#9, 0 {pack_format = #tpu.pack_format<interleaved>} : vector<32xbf16> -> vector<16xf32>
      %unpack3A_393 = tpu.unpack_subelements %scan3A_363#9, 1 {pack_format = #tpu.pack_format<interleaved>} : vector<32xbf16> -> vector<16xf32>
      %add3A_394 = arith.addf %unpack3A_392, %unpack3A_393 : vector<16xf32>
      %unpack3A_395 = tpu.unpack_subelements %scan3A_363#10, 0 {pack_format = #tpu.pack_format<interleaved>} : vector<32xbf16> -> vector<16xf32>
      %unpack3A_396 = tpu.unpack_subelements %scan3A_363#10, 1 {pack_format = #tpu.pack_format<interleaved>} : vector<32xbf16> -> vector<16xf32>
      %add3A_397 = arith.addf %unpack3A_395, %unpack3A_396 : vector<16xf32>
      %mul3A_398 = arith.constant 2.000000e+00 : f32
      %mul3A_399 = vector.broadcast %mul3A_398 : f32 to vector<16xf32>
      %mul3A_400 = arith.mulf %add3A_367, %mul3A_399 : vector<16xf32>
      %exp3A_401 = math.exp %mul3A_400 : vector<16xf32>
      %mul3A_402 = arith.constant 2.000000e+00 : f32
      %mul3A_403 = vector.broadcast %mul3A_402 : f32 to vector<16xf32>
      %mul3A_404 = arith.mulf %add3A_370, %mul3A_403 : vector<16xf32>
      %exp3A_405 = math.exp %mul3A_404 : vector<16xf32>
      %add3A_406 = arith.addf %exp3A_401, %exp3A_405 : vector<16xf32>
      %mul3A_407 = arith.constant 2.000000e+00 : f32
      %mul3A_408 = vector.broadcast %mul3A_407 : f32 to vector<16xf32>
      %mul3A_409 = arith.mulf %add3A_373, %mul3A_408 : vector<16xf32>
      %exp3A_410 = math.exp %mul3A_409 : vector<16xf32>
      %add3A_411 = arith.addf %add3A_406, %exp3A_410 : vector<16xf32>
      %mul3A_412 = arith.constant 2.000000e+00 : f32
      %mul3A_413 = vector.broadcast %mul3A_412 : f32 to vector<16xf32>
      %mul3A_414 = arith.mulf %add3A_376, %mul3A_413 : vector<16xf32>
      %exp3A_415 = math.exp %mul3A_414 : vector<16xf32>
      %add3A_416 = arith.addf %add3A_411, %exp3A_415 : vector<16xf32>
      %mul3A_417 = arith.constant 2.000000e+00 : f32
      %mul3A_418 = vector.broadcast %mul3A_417 : f32 to vector<16xf32>
      %mul3A_419 = arith.mulf %add3A_379, %mul3A_418 : vector<16xf32>
      %exp3A_420 = math.exp %mul3A_419 : vector<16xf32>
      %add3A_421 = arith.addf %add3A_416, %exp3A_420 : vector<16xf32>
      %mul3A_422 = arith.constant 2.000000e+00 : f32
      %mul3A_423 = vector.broadcast %mul3A_422 : f32 to vector<16xf32>
      %mul3A_424 = arith.mulf %add3A_382, %mul3A_423 : vector<16xf32>
      %exp3A_425 = math.exp %mul3A_424 : vector<16xf32>
      %add3A_426 = arith.addf %add3A_421, %exp3A_425 : vector<16xf32>
      %mul3A_427 = arith.constant 2.000000e+00 : f32
      %mul3A_428 = vector.broadcast %mul3A_427 : f32 to vector<16xf32>
      %mul3A_429 = arith.mulf %add3A_385, %mul3A_428 : vector<16xf32>
      %exp3A_430 = math.exp %mul3A_429 : vector<16xf32>
      %add3A_431 = arith.addf %add3A_426, %exp3A_430 : vector<16xf32>
      %mul3A_432 = arith.constant 2.000000e+00 : f32
      %mul3A_433 = vector.broadcast %mul3A_432 : f32 to vector<16xf32>
      %mul3A_434 = arith.mulf %add3A_388, %mul3A_433 : vector<16xf32>
      %exp3A_435 = math.exp %mul3A_434 : vector<16xf32>
      %add3A_436 = arith.addf %add3A_431, %exp3A_435 : vector<16xf32>
      %mul3A_437 = arith.constant 2.000000e+00 : f32
      %mul3A_438 = vector.broadcast %mul3A_437 : f32 to vector<16xf32>
      %mul3A_439 = arith.mulf %add3A_391, %mul3A_438 : vector<16xf32>
      %exp3A_440 = math.exp %mul3A_439 : vector<16xf32>
      %add3A_441 = arith.addf %add3A_436, %exp3A_440 : vector<16xf32>
      %mul3A_442 = arith.constant 2.000000e+00 : f32
      %mul3A_443 = vector.broadcast %mul3A_442 : f32 to vector<16xf32>
      %mul3A_444 = arith.mulf %add3A_394, %mul3A_443 : vector<16xf32>
      %exp3A_445 = math.exp %mul3A_444 : vector<16xf32>
      %add3A_446 = arith.addf %add3A_441, %exp3A_445 : vector<16xf32>
      %mul3A_447 = arith.constant 2.000000e+00 : f32
      %mul3A_448 = vector.broadcast %mul3A_447 : f32 to vector<16xf32>
      %mul3A_449 = arith.mulf %add3A_397, %mul3A_448 : vector<16xf32>
      %exp3A_450 = math.exp %mul3A_449 : vector<16xf32>
      %add3A_451 = arith.addf %add3A_446, %exp3A_450 : vector<16xf32>
      %mul3A_452 = arith.constant 16 : i32
      %mul3A_453 = arith.muli %add3A_285, %mul3A_452 : i32
      %add3A_454 = arith.constant 0 : i32
      %add3A_455 = arith.addi %mul3A_453, %add3A_454 : i32
      %swap3A_456 = arith.index_cast %add3A_455 : i32 to index
      %swap3A_457 = tpu.vector_load %arg12[%swap3A_456] {strides = array<i32>} : memref<10000xf32, #tpu.memory_space<vmem>>, vector<16xf32>,
      tpu.vector_store %arg12[%swap3A_456], %add3A_451 {strides = array<i32>} : memref<10000xf32, #tpu.memory_space<vmem>>, vector<16xf32>,
      %mul3A_458 = arith.constant 16 : i32
      %mul3A_459 = arith.muli %add3A_285, %mul3A_458 : i32
      %add3A_460 = arith.constant 0 : i32
      %add3A_461 = arith.addi %mul3A_459, %add3A_460 : i32
      %swap3A_462 = arith.index_cast %add3A_461 : i32 to index
      %swap3A_463 = tpu.vector_load %arg13[%swap3A_462] {strides = array<i32>} : memref<10000xf32, #tpu.memory_space<vmem>>, vector<16xf32>,
      tpu.vector_store %arg13[%swap3A_462], %add3A_367 {strides = array<i32>} : memref<10000xf32, #tpu.memory_space<vmem>>, vector<16xf32>,
      %mul3A_464 = arith.constant 3 : i32
      %mul3A_465 = arith.muli %scan3A_281, %mul3A_464 : i32
      %add3A_466 = arith.constant 1 : i32
      %add3A_467 = arith.addi %mul3A_465, %add3A_466 : i32
      %dma_wait3A_468 = arith.constant 0 : i32
      %dma_wait3A_469 = arith.constant 0 : i32
      %dma_wait3A_470 = tpu.memref_slice %arg2[%dma_wait3A_468, %dma_wait3A_469] : memref<10000x64xf32, #tpu.memory_space<hbm>> -> memref<192x64xf32, #tpu.memory_space<hbm>>
      %dma_wait3A_471 = arith.constant 0 : i32
      %dma_wait3A_472 = arith.constant 0 : i32
      %dma_wait3A_473 = tpu.memref_slice %arg2[%dma_wait3A_471, %dma_wait3A_472] : memref<10000x64xf32, #tpu.memory_space<hbm>> -> memref<192x64xf32, #tpu.memory_space<hbm>>
      tpu.wait_dma2 semaphore(%arg19 : memref<!tpu.dma_semaphore, #tpu.memory_space<semaphore_mem>>) src(%dma_wait3A_473 : memref<192x64xf32, #tpu.memory_space<hbm>>) dst(%arg10 : memref<192x64xf32, #tpu.memory_space<vmem>>)
      %lt3A = arith.constant 207 : i32
      %lt3A_474 = arith.cmpi slt, %scan3A_281, %lt3A : i32
      %convert_element_type3A = arith.extui %lt3A_474 : i1 to i32
      %cond3A = arith.constant 0 : i32
      %cond3A_475 = arith.cmpi ne, %convert_element_type3A, %cond3A : i32
      scf.if %cond3A_475 {
        %add3A_802 = arith.constant 3 : i32
        %add3A_803 = arith.addi %add3A_467, %add3A_802 : i32
        %mul3A_804 = arith.constant 12 : i32
        %mul3A_805 = arith.muli %mul3A_5, %mul3A_804 : i32
        %mul3A_806 = arith.constant 192 : i32
        %mul3A_807 = arith.muli %add3A_803, %mul3A_806 : i32
        %add3A_808 = arith.addi %mul3A_805, %mul3A_807 : i32
        %dma_start3A_809 = tpu.memref_slice %arg3[%add3A_808] : memref<3840000xi32, #tpu.memory_space<hbm>> -> memref<192xi32, #tpu.memory_space<hbm>>
        %dma_start3A_810 = tpu.memref_slice %arg3[%add3A_808] : memref<3840000xi32, #tpu.memory_space<hbm>> -> memref<192xi32, #tpu.memory_space<hbm>>
        tpu.enqueue_dma source(%dma_start3A_810 : memref<192xi32, #tpu.memory_space<hbm>>) target(%arg7 : memref<192xi32, #tpu.memory_space<vmem>>) target_semaphore(%arg16 : memref<!tpu.dma_semaphore, #tpu.memory_space<semaphore_mem>>)
      } else {
      }
      %dma_wait3A_476 = arith.constant 0 : i32
      %dma_wait3A_477 = tpu.memref_slice %arg3[%dma_wait3A_476] : memref<3840000xi32, #tpu.memory_space<hbm>> -> memref<192xi32, #tpu.memory_space<hbm>>
      %dma_wait3A_478 = arith.constant 0 : i32
      %dma_wait3A_479 = tpu.memref_slice %arg3[%dma_wait3A_478] : memref<3840000xi32, #tpu.memory_space<hbm>> -> memref<192xi32, #tpu.memory_space<hbm>>
      tpu.wait_dma2 semaphore(%arg15 : memref<!tpu.dma_semaphore, #tpu.memory_space<semaphore_mem>>) src(%dma_wait3A_479 : memref<192xi32, #tpu.memory_space<hbm>>) dst(%arg6 : memref<192xi32, #tpu.memory_space<vmem>>)
      %dma_start3A_480 = arith.constant 0 : i32
      %dma_start3A_481 = arith.constant 0 : i32
      %dma_start3A_482 = tpu.memref_slice %arg9[%dma_start3A_480, %dma_start3A_481] : memref<192x64xf32, #tpu.memory_space<vmem>> -> memref<128x64xf32, #tpu.memory_space<vmem>>
      %dma_start3A_483 = arith.constant 0 : i32
      %dma_start3A_484 = tpu.memref_slice %arg6[%dma_start3A_483] : memref<192xi32, #tpu.memory_space<vmem>> -> memref<128xi32, #tpu.memory_space<vmem>>
      %dma_start3A_485 = arith.constant 0 : i32
      %dma_start3A_486 = arith.constant 0 : i32
      %dma_start3A_487 = tpu.memref_slice %arg14[%dma_start3A_485, %dma_start3A_486] : memref<10000x64xf32, #tpu.memory_space<vmem_shared>> -> memref<10000x64xf32, #tpu.memory_space<vmem_shared>>
      tpu.enqueue_indirect_dma source(%dma_start3A_487 : memref<10000x64xf32, #tpu.memory_space<vmem_shared>>) target(%dma_start3A_482 : memref<128x64xf32, #tpu.memory_space<vmem>>) offsets(%dma_start3A_484 : memref<128xi32, #tpu.memory_space<vmem>>) semaphore(%arg18 : memref<!tpu.dma_semaphore, #tpu.memory_space<semaphore_mem>>)
      %dma_start3A_488 = arith.constant 128 : i32
      %dma_start3A_489 = arith.constant 0 : i32
      %dma_start3A_490 = tpu.memref_slice %arg9[%dma_start3A_488, %dma_start3A_489] : memref<192x64xf32, #tpu.memory_space<vmem>> -> memref<64x64xf32, #tpu.memory_space<vmem>>
      %dma_start3A_491 = arith.constant 128 : i32
      %dma_start3A_492 = tpu.memref_slice %arg6[%dma_start3A_491] : memref<192xi32, #tpu.memory_space<vmem>> -> memref<64xi32, #tpu.memory_space<vmem>>
      %dma_start3A_493 = arith.constant 0 : i32
      %dma_start3A_494 = arith.constant 0 : i32
      %dma_start3A_495 = tpu.memref_slice %arg14[%dma_start3A_493, %dma_start3A_494] : memref<10000x64xf32, #tpu.memory_space<vmem_shared>> -> memref<10000x64xf32, #tpu.memory_space<vmem_shared>>
      tpu.enqueue_indirect_dma source(%dma_start3A_495 : memref<10000x64xf32, #tpu.memory_space<vmem_shared>>) target(%dma_start3A_490 : memref<64x64xf32, #tpu.memory_space<vmem>>) offsets(%dma_start3A_492 : memref<64xi32, #tpu.memory_space<vmem>>) semaphore(%arg18 : memref<!tpu.dma_semaphore, #tpu.memory_space<semaphore_mem>>)
      %broadcast_in_dim3A_496 = arith.constant 0.000000e+00 : bf16
      %broadcast_in_dim3A_497 = vector.broadcast %broadcast_in_dim3A_496 : bf16 to vector<32xbf16>
      %add3A_498 = arith.constant 0 : i32
      %add3A_499 = vector.broadcast %add3A_498 : i32 to vector<16xi32>
      %add3A_500 = arith.addi %add3A_16, %add3A_499 : vector<16xi32>
      %add3A_501 = arith.constant 0 : i32
      %add3A_502 = vector.broadcast %add3A_501 : i32 to vector<16xi32>
      %add3A_503 = arith.addi %add3A_22, %add3A_502 : vector<16xi32>
      %add3A_504 = arith.constant 0 : i32
      %add3A_505 = vector.broadcast %add3A_504 : i32 to vector<16xi32>
      %add3A_506 = arith.addi %add3A_28, %add3A_505 : vector<16xi32>
      %add3A_507 = arith.constant 0 : i32
      %add3A_508 = vector.broadcast %add3A_507 : i32 to vector<16xi32>
      %add3A_509 = arith.addi %add3A_34, %add3A_508 : vector<16xi32>
      %add3A_510 = arith.constant 0 : i32
      %add3A_511 = vector.broadcast %add3A_510 : i32 to vector<16xi32>
      %add3A_512 = arith.addi %add3A_40, %add3A_511 : vector<16xi32>
      %add3A_513 = arith.constant 0 : i32
      %add3A_514 = vector.broadcast %add3A_513 : i32 to vector<16xi32>
      %add3A_515 = arith.addi %add3A_46, %add3A_514 : vector<16xi32>
      %add3A_516 = arith.constant 0 : i32
      %add3A_517 = vector.broadcast %add3A_516 : i32 to vector<16xi32>
      %add3A_518 = arith.addi %add3A_52, %add3A_517 : vector<16xi32>
      %add3A_519 = arith.constant 0 : i32
      %add3A_520 = vector.broadcast %add3A_519 : i32 to vector<16xi32>
      %add3A_521 = arith.addi %add3A_58, %add3A_520 : vector<16xi32>
      %add3A_522 = arith.constant 0 : i32
      %add3A_523 = vector.broadcast %add3A_522 : i32 to vector<16xi32>
      %add3A_524 = arith.addi %add3A_64, %add3A_523 : vector<16xi32>
      %add3A_525 = arith.constant 0 : i32
      %add3A_526 = vector.broadcast %add3A_525 : i32 to vector<16xi32>
      %add3A_527 = arith.addi %add3A_70, %add3A_526 : vector<16xi32>
      %add3A_528 = arith.constant 0 : i32
      %add3A_529 = vector.broadcast %add3A_528 : i32 to vector<16xi32>
      %add3A_530 = arith.addi %add3A_76, %add3A_529 : vector<16xi32>
      %add3A_531 = arith.constant 0 : i32
      %add3A_532 = vector.broadcast %add3A_531 : i32 to vector<16xi32>
      %add3A_533 = arith.addi %add3A_82, %add3A_532 : vector<16xi32>
      %scan3A_534 = arith.constant 0 : i32
      %scan3A_535 = arith.constant 64 : i32
      %scan3A_536 = arith.addi %scan3A_534, %scan3A_535 : i32
      %scan3A_537 = arith.constant 1 : i32
      %scan3A_538:11 = scf.for %scan3A_802 = %scan3A_534 to %scan3A_536 step %scan3A_537 iter_args(%scan3A_803 = %broadcast_in_dim3A_497, %scan3A_804 = %broadcast_in_dim3A_497, %scan3A_805 = %broadcast_in_dim3A_497, %scan3A_806 = %broadcast_in_dim3A_497, %scan3A_807 = %broadcast_in_dim3A_497, %scan3A_808 = %broadcast_in_dim3A_497, %scan3A_809 = %broadcast_in_dim3A_497, %scan3A_810 = %broadcast_in_dim3A_497, %scan3A_811 = %broadcast_in_dim3A_497, %scan3A_812 = %broadcast_in_dim3A_497, %scan3A_813 = %broadcast_in_dim3A_497) -> (vector<32xbf16>, vector<32xbf16>, vector<32xbf16>, vector<32xbf16>, vector<32xbf16>, vector<32xbf16>, vector<32xbf16>, vector<32xbf16>, vector<32xbf16>, vector<32xbf16>, vector<32xbf16>)  : i32 {
        %mul3A_814 = arith.constant 1 : i32
        %mul3A_815 = arith.muli %scan3A_802, %mul3A_814 : i32
        %add3A_816 = arith.constant 0 : i32
        %add3A_817 = arith.addi %mul3A_815, %add3A_816 : i32
        %add3A_818 = vector.broadcast %add3A_817 : i32 to vector<16xi32>
        %add3A_819 = arith.addi %add3A_818, %mul3A_3 : vector<16xi32>
        %and3A = arith.constant 63 : i32
        %and3A_820 = vector.broadcast %and3A : i32 to vector<16xi32>
        %and3A_821 = arith.andi %add3A_819, %and3A_820 : vector<16xi32>
        %gather3A = tpu.vector_load_idx %arg10[%add3A_500, %and3A_821] : memref<192x64xf32, #tpu.memory_space<vmem>>[vector<16xi32>, vector<16xi32>], vector<16xf32>,
        %bitcast3A = vector.bitcast %gather3A : vector<16xf32> to vector<32xbf16>
        %gather3A_822 = tpu.vector_load_idx %arg10[%add3A_503, %and3A_821] : memref<192x64xf32, #tpu.memory_space<vmem>>[vector<16xi32>, vector<16xi32>], vector<16xf32>,
        %bitcast3A_823 = vector.bitcast %gather3A_822 : vector<16xf32> to vector<32xbf16>
        %mul3A_824 = arith.mulf %bitcast3A, %bitcast3A_823 : vector<32xbf16>
        %add3A_825 = arith.addf %scan3A_803, %mul3A_824 : vector<32xbf16>
        %gather3A_826 = tpu.vector_load_idx %arg10[%add3A_506, %and3A_821] : memref<192x64xf32, #tpu.memory_space<vmem>>[vector<16xi32>, vector<16xi32>], vector<16xf32>,
        %bitcast3A_827 = vector.bitcast %gather3A_826 : vector<16xf32> to vector<32xbf16>
        %mul3A_828 = arith.mulf %bitcast3A, %bitcast3A_827 : vector<32xbf16>
        %add3A_829 = arith.addf %scan3A_804, %mul3A_828 : vector<32xbf16>
        %gather3A_830 = tpu.vector_load_idx %arg10[%add3A_509, %and3A_821] : memref<192x64xf32, #tpu.memory_space<vmem>>[vector<16xi32>, vector<16xi32>], vector<16xf32>,
        %bitcast3A_831 = vector.bitcast %gather3A_830 : vector<16xf32> to vector<32xbf16>
        %mul3A_832 = arith.mulf %bitcast3A, %bitcast3A_831 : vector<32xbf16>
        %add3A_833 = arith.addf %scan3A_805, %mul3A_832 : vector<32xbf16>
        %gather3A_834 = tpu.vector_load_idx %arg10[%add3A_512, %and3A_821] : memref<192x64xf32, #tpu.memory_space<vmem>>[vector<16xi32>, vector<16xi32>], vector<16xf32>,
        %bitcast3A_835 = vector.bitcast %gather3A_834 : vector<16xf32> to vector<32xbf16>
        %mul3A_836 = arith.mulf %bitcast3A, %bitcast3A_835 : vector<32xbf16>
        %add3A_837 = arith.addf %scan3A_806, %mul3A_836 : vector<32xbf16>
        %gather3A_838 = tpu.vector_load_idx %arg10[%add3A_515, %and3A_821] : memref<192x64xf32, #tpu.memory_space<vmem>>[vector<16xi32>, vector<16xi32>], vector<16xf32>,
        %bitcast3A_839 = vector.bitcast %gather3A_838 : vector<16xf32> to vector<32xbf16>
        %mul3A_840 = arith.mulf %bitcast3A, %bitcast3A_839 : vector<32xbf16>
        %add3A_841 = arith.addf %scan3A_807, %mul3A_840 : vector<32xbf16>
        %gather3A_842 = tpu.vector_load_idx %arg10[%add3A_518, %and3A_821] : memref<192x64xf32, #tpu.memory_space<vmem>>[vector<16xi32>, vector<16xi32>], vector<16xf32>,
        %bitcast3A_843 = vector.bitcast %gather3A_842 : vector<16xf32> to vector<32xbf16>
        %mul3A_844 = arith.mulf %bitcast3A, %bitcast3A_843 : vector<32xbf16>
        %add3A_845 = arith.addf %scan3A_808, %mul3A_844 : vector<32xbf16>
        %gather3A_846 = tpu.vector_load_idx %arg10[%add3A_521, %and3A_821] : memref<192x64xf32, #tpu.memory_space<vmem>>[vector<16xi32>, vector<16xi32>], vector<16xf32>,
        %bitcast3A_847 = vector.bitcast %gather3A_846 : vector<16xf32> to vector<32xbf16>
        %mul3A_848 = arith.mulf %bitcast3A, %bitcast3A_847 : vector<32xbf16>
        %add3A_849 = arith.addf %scan3A_809, %mul3A_848 : vector<32xbf16>
        %gather3A_850 = tpu.vector_load_idx %arg10[%add3A_524, %and3A_821] : memref<192x64xf32, #tpu.memory_space<vmem>>[vector<16xi32>, vector<16xi32>], vector<16xf32>,
        %bitcast3A_851 = vector.bitcast %gather3A_850 : vector<16xf32> to vector<32xbf16>
        %mul3A_852 = arith.mulf %bitcast3A, %bitcast3A_851 : vector<32xbf16>
        %add3A_853 = arith.addf %scan3A_810, %mul3A_852 : vector<32xbf16>
        %gather3A_854 = tpu.vector_load_idx %arg10[%add3A_527, %and3A_821] : memref<192x64xf32, #tpu.memory_space<vmem>>[vector<16xi32>, vector<16xi32>], vector<16xf32>,
        %bitcast3A_855 = vector.bitcast %gather3A_854 : vector<16xf32> to vector<32xbf16>
        %mul3A_856 = arith.mulf %bitcast3A, %bitcast3A_855 : vector<32xbf16>
        %add3A_857 = arith.addf %scan3A_811, %mul3A_856 : vector<32xbf16>
        %gather3A_858 = tpu.vector_load_idx %arg10[%add3A_530, %and3A_821] : memref<192x64xf32, #tpu.memory_space<vmem>>[vector<16xi32>, vector<16xi32>], vector<16xf32>,
        %bitcast3A_859 = vector.bitcast %gather3A_858 : vector<16xf32> to vector<32xbf16>
        %mul3A_860 = arith.mulf %bitcast3A, %bitcast3A_859 : vector<32xbf16>
        %add3A_861 = arith.addf %scan3A_812, %mul3A_860 : vector<32xbf16>
        %gather3A_862 = tpu.vector_load_idx %arg10[%add3A_533, %and3A_821] : memref<192x64xf32, #tpu.memory_space<vmem>>[vector<16xi32>, vector<16xi32>], vector<16xf32>,
        %bitcast3A_863 = vector.bitcast %gather3A_862 : vector<16xf32> to vector<32xbf16>
        %mul3A_864 = arith.mulf %bitcast3A, %bitcast3A_863 : vector<32xbf16>
        %add3A_865 = arith.addf %scan3A_813, %mul3A_864 : vector<32xbf16>
        scf.yield %add3A_825, %add3A_829, %add3A_833, %add3A_837, %add3A_841, %add3A_845, %add3A_849, %add3A_853, %add3A_857, %add3A_861, %add3A_865 : vector<32xbf16>, vector<32xbf16>, vector<32xbf16>, vector<32xbf16>, vector<32xbf16>, vector<32xbf16>, vector<32xbf16>, vector<32xbf16>, vector<32xbf16>, vector<32xbf16>, vector<32xbf16>
      }
      %scan3A_539 = arith.constant 64 : i32
      %unpack3A_540 = tpu.unpack_subelements %scan3A_538#0, 0 {pack_format = #tpu.pack_format<interleaved>} : vector<32xbf16> -> vector<16xf32>
      %unpack3A_541 = tpu.unpack_subelements %scan3A_538#0, 1 {pack_format = #tpu.pack_format<interleaved>} : vector<32xbf16> -> vector<16xf32>
      %add3A_542 = arith.addf %unpack3A_540, %unpack3A_541 : vector<16xf32>
      %unpack3A_543 = tpu.unpack_subelements %scan3A_538#1, 0 {pack_format = #tpu.pack_format<interleaved>} : vector<32xbf16> -> vector<16xf32>
      %unpack3A_544 = tpu.unpack_subelements %scan3A_538#1, 1 {pack_format = #tpu.pack_format<interleaved>} : vector<32xbf16> -> vector<16xf32>
      %add3A_545 = arith.addf %unpack3A_543, %unpack3A_544 : vector<16xf32>
      %unpack3A_546 = tpu.unpack_subelements %scan3A_538#2, 0 {pack_format = #tpu.pack_format<interleaved>} : vector<32xbf16> -> vector<16xf32>
      %unpack3A_547 = tpu.unpack_subelements %scan3A_538#2, 1 {pack_format = #tpu.pack_format<interleaved>} : vector<32xbf16> -> vector<16xf32>
      %add3A_548 = arith.addf %unpack3A_546, %unpack3A_547 : vector<16xf32>
      %unpack3A_549 = tpu.unpack_subelements %scan3A_538#3, 0 {pack_format = #tpu.pack_format<interleaved>} : vector<32xbf16> -> vector<16xf32>
      %unpack3A_550 = tpu.unpack_subelements %scan3A_538#3, 1 {pack_format = #tpu.pack_format<interleaved>} : vector<32xbf16> -> vector<16xf32>
      %add3A_551 = arith.addf %unpack3A_549, %unpack3A_550 : vector<16xf32>
      %unpack3A_552 = tpu.unpack_subelements %scan3A_538#4, 0 {pack_format = #tpu.pack_format<interleaved>} : vector<32xbf16> -> vector<16xf32>
      %unpack3A_553 = tpu.unpack_subelements %scan3A_538#4, 1 {pack_format = #tpu.pack_format<interleaved>} : vector<32xbf16> -> vector<16xf32>
      %add3A_554 = arith.addf %unpack3A_552, %unpack3A_553 : vector<16xf32>
      %unpack3A_555 = tpu.unpack_subelements %scan3A_538#5, 0 {pack_format = #tpu.pack_format<interleaved>} : vector<32xbf16> -> vector<16xf32>
      %unpack3A_556 = tpu.unpack_subelements %scan3A_538#5, 1 {pack_format = #tpu.pack_format<interleaved>} : vector<32xbf16> -> vector<16xf32>
      %add3A_557 = arith.addf %unpack3A_555, %unpack3A_556 : vector<16xf32>
      %unpack3A_558 = tpu.unpack_subelements %scan3A_538#6, 0 {pack_format = #tpu.pack_format<interleaved>} : vector<32xbf16> -> vector<16xf32>
      %unpack3A_559 = tpu.unpack_subelements %scan3A_538#6, 1 {pack_format = #tpu.pack_format<interleaved>} : vector<32xbf16> -> vector<16xf32>
      %add3A_560 = arith.addf %unpack3A_558, %unpack3A_559 : vector<16xf32>
      %unpack3A_561 = tpu.unpack_subelements %scan3A_538#7, 0 {pack_format = #tpu.pack_format<interleaved>} : vector<32xbf16> -> vector<16xf32>
      %unpack3A_562 = tpu.unpack_subelements %scan3A_538#7, 1 {pack_format = #tpu.pack_format<interleaved>} : vector<32xbf16> -> vector<16xf32>
      %add3A_563 = arith.addf %unpack3A_561, %unpack3A_562 : vector<16xf32>
      %unpack3A_564 = tpu.unpack_subelements %scan3A_538#8, 0 {pack_format = #tpu.pack_format<interleaved>} : vector<32xbf16> -> vector<16xf32>
      %unpack3A_565 = tpu.unpack_subelements %scan3A_538#8, 1 {pack_format = #tpu.pack_format<interleaved>} : vector<32xbf16> -> vector<16xf32>
      %add3A_566 = arith.addf %unpack3A_564, %unpack3A_565 : vector<16xf32>
      %unpack3A_567 = tpu.unpack_subelements %scan3A_538#9, 0 {pack_format = #tpu.pack_format<interleaved>} : vector<32xbf16> -> vector<16xf32>
      %unpack3A_568 = tpu.unpack_subelements %scan3A_538#9, 1 {pack_format = #tpu.pack_format<interleaved>} : vector<32xbf16> -> vector<16xf32>
      %add3A_569 = arith.addf %unpack3A_567, %unpack3A_568 : vector<16xf32>
      %unpack3A_570 = tpu.unpack_subelements %scan3A_538#10, 0 {pack_format = #tpu.pack_format<interleaved>} : vector<32xbf16> -> vector<16xf32>
      %unpack3A_571 = tpu.unpack_subelements %scan3A_538#10, 1 {pack_format = #tpu.pack_format<interleaved>} : vector<32xbf16> -> vector<16xf32>
      %add3A_572 = arith.addf %unpack3A_570, %unpack3A_571 : vector<16xf32>
      %mul3A_573 = arith.constant 2.000000e+00 : f32
      %mul3A_574 = vector.broadcast %mul3A_573 : f32 to vector<16xf32>
      %mul3A_575 = arith.mulf %add3A_542, %mul3A_574 : vector<16xf32>
      %exp3A_576 = math.exp %mul3A_575 : vector<16xf32>
      %mul3A_577 = arith.constant 2.000000e+00 : f32
      %mul3A_578 = vector.broadcast %mul3A_577 : f32 to vector<16xf32>
      %mul3A_579 = arith.mulf %add3A_545, %mul3A_578 : vector<16xf32>
      %exp3A_580 = math.exp %mul3A_579 : vector<16xf32>
      %add3A_581 = arith.addf %exp3A_576, %exp3A_580 : vector<16xf32>
      %mul3A_582 = arith.constant 2.000000e+00 : f32
      %mul3A_583 = vector.broadcast %mul3A_582 : f32 to vector<16xf32>
      %mul3A_584 = arith.mulf %add3A_548, %mul3A_583 : vector<16xf32>
      %exp3A_585 = math.exp %mul3A_584 : vector<16xf32>
      %add3A_586 = arith.addf %add3A_581, %exp3A_585 : vector<16xf32>
      %mul3A_587 = arith.constant 2.000000e+00 : f32
      %mul3A_588 = vector.broadcast %mul3A_587 : f32 to vector<16xf32>
      %mul3A_589 = arith.mulf %add3A_551, %mul3A_588 : vector<16xf32>
      %exp3A_590 = math.exp %mul3A_589 : vector<16xf32>
      %add3A_591 = arith.addf %add3A_586, %exp3A_590 : vector<16xf32>
      %mul3A_592 = arith.constant 2.000000e+00 : f32
      %mul3A_593 = vector.broadcast %mul3A_592 : f32 to vector<16xf32>
      %mul3A_594 = arith.mulf %add3A_554, %mul3A_593 : vector<16xf32>
      %exp3A_595 = math.exp %mul3A_594 : vector<16xf32>
      %add3A_596 = arith.addf %add3A_591, %exp3A_595 : vector<16xf32>
      %mul3A_597 = arith.constant 2.000000e+00 : f32
      %mul3A_598 = vector.broadcast %mul3A_597 : f32 to vector<16xf32>
      %mul3A_599 = arith.mulf %add3A_557, %mul3A_598 : vector<16xf32>
      %exp3A_600 = math.exp %mul3A_599 : vector<16xf32>
      %add3A_601 = arith.addf %add3A_596, %exp3A_600 : vector<16xf32>
      %mul3A_602 = arith.constant 2.000000e+00 : f32
      %mul3A_603 = vector.broadcast %mul3A_602 : f32 to vector<16xf32>
      %mul3A_604 = arith.mulf %add3A_560, %mul3A_603 : vector<16xf32>
      %exp3A_605 = math.exp %mul3A_604 : vector<16xf32>
      %add3A_606 = arith.addf %add3A_601, %exp3A_605 : vector<16xf32>
      %mul3A_607 = arith.constant 2.000000e+00 : f32
      %mul3A_608 = vector.broadcast %mul3A_607 : f32 to vector<16xf32>
      %mul3A_609 = arith.mulf %add3A_563, %mul3A_608 : vector<16xf32>
      %exp3A_610 = math.exp %mul3A_609 : vector<16xf32>
      %add3A_611 = arith.addf %add3A_606, %exp3A_610 : vector<16xf32>
      %mul3A_612 = arith.constant 2.000000e+00 : f32
      %mul3A_613 = vector.broadcast %mul3A_612 : f32 to vector<16xf32>
      %mul3A_614 = arith.mulf %add3A_566, %mul3A_613 : vector<16xf32>
      %exp3A_615 = math.exp %mul3A_614 : vector<16xf32>
      %add3A_616 = arith.addf %add3A_611, %exp3A_615 : vector<16xf32>
      %mul3A_617 = arith.constant 2.000000e+00 : f32
      %mul3A_618 = vector.broadcast %mul3A_617 : f32 to vector<16xf32>
      %mul3A_619 = arith.mulf %add3A_569, %mul3A_618 : vector<16xf32>
      %exp3A_620 = math.exp %mul3A_619 : vector<16xf32>
      %add3A_621 = arith.addf %add3A_616, %exp3A_620 : vector<16xf32>
      %mul3A_622 = arith.constant 2.000000e+00 : f32
      %mul3A_623 = vector.broadcast %mul3A_622 : f32 to vector<16xf32>
      %mul3A_624 = arith.mulf %add3A_572, %mul3A_623 : vector<16xf32>
      %exp3A_625 = math.exp %mul3A_624 : vector<16xf32>
      %add3A_626 = arith.addf %add3A_621, %exp3A_625 : vector<16xf32>
      %mul3A_627 = arith.constant 16 : i32
      %mul3A_628 = arith.muli %add3A_467, %mul3A_627 : i32
      %add3A_629 = arith.constant 0 : i32
      %add3A_630 = arith.addi %mul3A_628, %add3A_629 : i32
      %swap3A_631 = arith.index_cast %add3A_630 : i32 to index
      %swap3A_632 = tpu.vector_load %arg12[%swap3A_631] {strides = array<i32>} : memref<10000xf32, #tpu.memory_space<vmem>>, vector<16xf32>,
      tpu.vector_store %arg12[%swap3A_631], %add3A_626 {strides = array<i32>} : memref<10000xf32, #tpu.memory_space<vmem>>, vector<16xf32>,
      %mul3A_633 = arith.constant 16 : i32
      %mul3A_634 = arith.muli %add3A_467, %mul3A_633 : i32
      %add3A_635 = arith.constant 0 : i32
      %add3A_636 = arith.addi %mul3A_634, %add3A_635 : i32
      %swap3A_637 = arith.index_cast %add3A_636 : i32 to index
      %swap3A_638 = tpu.vector_load %arg13[%swap3A_637] {strides = array<i32>} : memref<10000xf32, #tpu.memory_space<vmem>>, vector<16xf32>,
      tpu.vector_store %arg13[%swap3A_637], %add3A_542 {strides = array<i32>} : memref<10000xf32, #tpu.memory_space<vmem>>, vector<16xf32>,
      %mul3A_639 = arith.constant 3 : i32
      %mul3A_640 = arith.muli %scan3A_281, %mul3A_639 : i32
      %add3A_641 = arith.constant 2 : i32
      %add3A_642 = arith.addi %mul3A_640, %add3A_641 : i32
      %dma_wait3A_643 = arith.constant 0 : i32
      %dma_wait3A_644 = arith.constant 0 : i32
      %dma_wait3A_645 = tpu.memref_slice %arg2[%dma_wait3A_643, %dma_wait3A_644] : memref<10000x64xf32, #tpu.memory_space<hbm>> -> memref<192x64xf32, #tpu.memory_space<hbm>>
      %dma_wait3A_646 = arith.constant 0 : i32
      %dma_wait3A_647 = arith.constant 0 : i32
      %dma_wait3A_648 = tpu.memref_slice %arg2[%dma_wait3A_646, %dma_wait3A_647] : memref<10000x64xf32, #tpu.memory_space<hbm>> -> memref<192x64xf32, #tpu.memory_space<hbm>>
      tpu.wait_dma2 semaphore(%arg20 : memref<!tpu.dma_semaphore, #tpu.memory_space<semaphore_mem>>) src(%dma_wait3A_648 : memref<192x64xf32, #tpu.memory_space<hbm>>) dst(%arg11 : memref<192x64xf32, #tpu.memory_space<vmem>>)
      %lt3A_649 = arith.constant 207 : i32
      %lt3A_650 = arith.cmpi slt, %scan3A_281, %lt3A_649 : i32
      %convert_element_type3A_651 = arith.extui %lt3A_650 : i1 to i32
      %cond3A_652 = arith.constant 0 : i32
      %cond3A_653 = arith.cmpi ne, %convert_element_type3A_651, %cond3A_652 : i32
      scf.if %cond3A_653 {
        %add3A_802 = arith.constant 3 : i32
        %add3A_803 = arith.addi %add3A_642, %add3A_802 : i32
        %mul3A_804 = arith.constant 12 : i32
        %mul3A_805 = arith.muli %mul3A_5, %mul3A_804 : i32
        %mul3A_806 = arith.constant 192 : i32
        %mul3A_807 = arith.muli %add3A_803, %mul3A_806 : i32
        %add3A_808 = arith.addi %mul3A_805, %mul3A_807 : i32
        %dma_start3A_809 = tpu.memref_slice %arg3[%add3A_808] : memref<3840000xi32, #tpu.memory_space<hbm>> -> memref<192xi32, #tpu.memory_space<hbm>>
        %dma_start3A_810 = tpu.memref_slice %arg3[%add3A_808] : memref<3840000xi32, #tpu.memory_space<hbm>> -> memref<192xi32, #tpu.memory_space<hbm>>
        tpu.enqueue_dma source(%dma_start3A_810 : memref<192xi32, #tpu.memory_space<hbm>>) target(%arg8 : memref<192xi32, #tpu.memory_space<vmem>>) target_semaphore(%arg17 : memref<!tpu.dma_semaphore, #tpu.memory_space<semaphore_mem>>)
      } else {
      }
      %lt3A_654 = arith.constant 207 : i32
      %lt3A_655 = arith.cmpi slt, %scan3A_281, %lt3A_654 : i32
      %convert_element_type3A_656 = arith.extui %lt3A_655 : i1 to i32
      %cond3A_657 = arith.constant 0 : i32
      %cond3A_658 = arith.cmpi ne, %convert_element_type3A_656, %cond3A_657 : i32
      scf.if %cond3A_658 {
        %dma_wait3A_802 = arith.constant 0 : i32
        %dma_wait3A_803 = tpu.memref_slice %arg3[%dma_wait3A_802] : memref<3840000xi32, #tpu.memory_space<hbm>> -> memref<192xi32, #tpu.memory_space<hbm>>
        %dma_wait3A_804 = arith.constant 0 : i32
        %dma_wait3A_805 = tpu.memref_slice %arg3[%dma_wait3A_804] : memref<3840000xi32, #tpu.memory_space<hbm>> -> memref<192xi32, #tpu.memory_space<hbm>>
        tpu.wait_dma2 semaphore(%arg16 : memref<!tpu.dma_semaphore, #tpu.memory_space<semaphore_mem>>) src(%dma_wait3A_805 : memref<192xi32, #tpu.memory_space<hbm>>) dst(%arg7 : memref<192xi32, #tpu.memory_space<vmem>>)
        %dma_start3A_806 = arith.constant 0 : i32
        %dma_start3A_807 = arith.constant 0 : i32
        %dma_start3A_808 = tpu.memref_slice %arg10[%dma_start3A_806, %dma_start3A_807] : memref<192x64xf32, #tpu.memory_space<vmem>> -> memref<128x64xf32, #tpu.memory_space<vmem>>
        %dma_start3A_809 = arith.constant 0 : i32
        %dma_start3A_810 = tpu.memref_slice %arg7[%dma_start3A_809] : memref<192xi32, #tpu.memory_space<vmem>> -> memref<128xi32, #tpu.memory_space<vmem>>
        %dma_start3A_811 = arith.constant 0 : i32
        %dma_start3A_812 = arith.constant 0 : i32
        %dma_start3A_813 = tpu.memref_slice %arg14[%dma_start3A_811, %dma_start3A_812] : memref<10000x64xf32, #tpu.memory_space<vmem_shared>> -> memref<10000x64xf32, #tpu.memory_space<vmem_shared>>
        tpu.enqueue_indirect_dma source(%dma_start3A_813 : memref<10000x64xf32, #tpu.memory_space<vmem_shared>>) target(%dma_start3A_808 : memref<128x64xf32, #tpu.memory_space<vmem>>) offsets(%dma_start3A_810 : memref<128xi32, #tpu.memory_space<vmem>>) semaphore(%arg19 : memref<!tpu.dma_semaphore, #tpu.memory_space<semaphore_mem>>)
        %dma_start3A_814 = arith.constant 128 : i32
        %dma_start3A_815 = arith.constant 0 : i32
        %dma_start3A_816 = tpu.memref_slice %arg10[%dma_start3A_814, %dma_start3A_815] : memref<192x64xf32, #tpu.memory_space<vmem>> -> memref<64x64xf32, #tpu.memory_space<vmem>>
        %dma_start3A_817 = arith.constant 128 : i32
        %dma_start3A_818 = tpu.memref_slice %arg7[%dma_start3A_817] : memref<192xi32, #tpu.memory_space<vmem>> -> memref<64xi32, #tpu.memory_space<vmem>>
        %dma_start3A_819 = arith.constant 0 : i32
        %dma_start3A_820 = arith.constant 0 : i32
        %dma_start3A_821 = tpu.memref_slice %arg14[%dma_start3A_819, %dma_start3A_820] : memref<10000x64xf32, #tpu.memory_space<vmem_shared>> -> memref<10000x64xf32, #tpu.memory_space<vmem_shared>>
        tpu.enqueue_indirect_dma source(%dma_start3A_821 : memref<10000x64xf32, #tpu.memory_space<vmem_shared>>) target(%dma_start3A_816 : memref<64x64xf32, #tpu.memory_space<vmem>>) offsets(%dma_start3A_818 : memref<64xi32, #tpu.memory_space<vmem>>) semaphore(%arg19 : memref<!tpu.dma_semaphore, #tpu.memory_space<semaphore_mem>>)
      } else {
      }
      %broadcast_in_dim3A_659 = arith.constant 0.000000e+00 : bf16
      %broadcast_in_dim3A_660 = vector.broadcast %broadcast_in_dim3A_659 : bf16 to vector<32xbf16>
      %add3A_661 = arith.constant 0 : i32
      %add3A_662 = vector.broadcast %add3A_661 : i32 to vector<16xi32>
      %add3A_663 = arith.addi %add3A_16, %add3A_662 : vector<16xi32>
      %add3A_664 = arith.constant 0 : i32
      %add3A_665 = vector.broadcast %add3A_664 : i32 to vector<16xi32>
      %add3A_666 = arith.addi %add3A_22, %add3A_665 : vector<16xi32>
      %add3A_667 = arith.constant 0 : i32
      %add3A_668 = vector.broadcast %add3A_667 : i32 to vector<16xi32>
      %add3A_669 = arith.addi %add3A_28, %add3A_668 : vector<16xi32>
      %add3A_670 = arith.constant 0 : i32
      %add3A_671 = vector.broadcast %add3A_670 : i32 to vector<16xi32>
      %add3A_672 = arith.addi %add3A_34, %add3A_671 : vector<16xi32>
      %add3A_673 = arith.constant 0 : i32
      %add3A_674 = vector.broadcast %add3A_673 : i32 to vector<16xi32>
      %add3A_675 = arith.addi %add3A_40, %add3A_674 : vector<16xi32>
      %add3A_676 = arith.constant 0 : i32
      %add3A_677 = vector.broadcast %add3A_676 : i32 to vector<16xi32>
      %add3A_678 = arith.addi %add3A_46, %add3A_677 : vector<16xi32>
      %add3A_679 = arith.constant 0 : i32
      %add3A_680 = vector.broadcast %add3A_679 : i32 to vector<16xi32>
      %add3A_681 = arith.addi %add3A_52, %add3A_680 : vector<16xi32>
      %add3A_682 = arith.constant 0 : i32
      %add3A_683 = vector.broadcast %add3A_682 : i32 to vector<16xi32>
      %add3A_684 = arith.addi %add3A_58, %add3A_683 : vector<16xi32>
      %add3A_685 = arith.constant 0 : i32
      %add3A_686 = vector.broadcast %add3A_685 : i32 to vector<16xi32>
      %add3A_687 = arith.addi %add3A_64, %add3A_686 : vector<16xi32>
      %add3A_688 = arith.constant 0 : i32
      %add3A_689 = vector.broadcast %add3A_688 : i32 to vector<16xi32>
      %add3A_690 = arith.addi %add3A_70, %add3A_689 : vector<16xi32>
      %add3A_691 = arith.constant 0 : i32
      %add3A_692 = vector.broadcast %add3A_691 : i32 to vector<16xi32>
      %add3A_693 = arith.addi %add3A_76, %add3A_692 : vector<16xi32>
      %add3A_694 = arith.constant 0 : i32
      %add3A_695 = vector.broadcast %add3A_694 : i32 to vector<16xi32>
      %add3A_696 = arith.addi %add3A_82, %add3A_695 : vector<16xi32>
      %scan3A_697 = arith.constant 0 : i32
      %scan3A_698 = arith.constant 64 : i32
      %scan3A_699 = arith.addi %scan3A_697, %scan3A_698 : i32
      %scan3A_700 = arith.constant 1 : i32
      %scan3A_701:11 = scf.for %scan3A_802 = %scan3A_697 to %scan3A_699 step %scan3A_700 iter_args(%scan3A_803 = %broadcast_in_dim3A_660, %scan3A_804 = %broadcast_in_dim3A_660, %scan3A_805 = %broadcast_in_dim3A_660, %scan3A_806 = %broadcast_in_dim3A_660, %scan3A_807 = %broadcast_in_dim3A_660, %scan3A_808 = %broadcast_in_dim3A_660, %scan3A_809 = %broadcast_in_dim3A_660, %scan3A_810 = %broadcast_in_dim3A_660, %scan3A_811 = %broadcast_in_dim3A_660, %scan3A_812 = %broadcast_in_dim3A_660, %scan3A_813 = %broadcast_in_dim3A_660) -> (vector<32xbf16>, vector<32xbf16>, vector<32xbf16>, vector<32xbf16>, vector<32xbf16>, vector<32xbf16>, vector<32xbf16>, vector<32xbf16>, vector<32xbf16>, vector<32xbf16>, vector<32xbf16>)  : i32 {
        %mul3A_814 = arith.constant 1 : i32
        %mul3A_815 = arith.muli %scan3A_802, %mul3A_814 : i32
        %add3A_816 = arith.constant 0 : i32
        %add3A_817 = arith.addi %mul3A_815, %add3A_816 : i32
        %add3A_818 = vector.broadcast %add3A_817 : i32 to vector<16xi32>
        %add3A_819 = arith.addi %add3A_818, %mul3A_3 : vector<16xi32>
        %and3A = arith.constant 63 : i32
        %and3A_820 = vector.broadcast %and3A : i32 to vector<16xi32>
        %and3A_821 = arith.andi %add3A_819, %and3A_820 : vector<16xi32>
        %gather3A = tpu.vector_load_idx %arg11[%add3A_663, %and3A_821] : memref<192x64xf32, #tpu.memory_space<vmem>>[vector<16xi32>, vector<16xi32>], vector<16xf32>,
        %bitcast3A = vector.bitcast %gather3A : vector<16xf32> to vector<32xbf16>
        %gather3A_822 = tpu.vector_load_idx %arg11[%add3A_666, %and3A_821] : memref<192x64xf32, #tpu.memory_space<vmem>>[vector<16xi32>, vector<16xi32>], vector<16xf32>,
        %bitcast3A_823 = vector.bitcast %gather3A_822 : vector<16xf32> to vector<32xbf16>
        %mul3A_824 = arith.mulf %bitcast3A, %bitcast3A_823 : vector<32xbf16>
        %add3A_825 = arith.addf %scan3A_803, %mul3A_824 : vector<32xbf16>
        %gather3A_826 = tpu.vector_load_idx %arg11[%add3A_669, %and3A_821] : memref<192x64xf32, #tpu.memory_space<vmem>>[vector<16xi32>, vector<16xi32>], vector<16xf32>,
        %bitcast3A_827 = vector.bitcast %gather3A_826 : vector<16xf32> to vector<32xbf16>
        %mul3A_828 = arith.mulf %bitcast3A, %bitcast3A_827 : vector<32xbf16>
        %add3A_829 = arith.addf %scan3A_804, %mul3A_828 : vector<32xbf16>
        %gather3A_830 = tpu.vector_load_idx %arg11[%add3A_672, %and3A_821] : memref<192x64xf32, #tpu.memory_space<vmem>>[vector<16xi32>, vector<16xi32>], vector<16xf32>,
        %bitcast3A_831 = vector.bitcast %gather3A_830 : vector<16xf32> to vector<32xbf16>
        %mul3A_832 = arith.mulf %bitcast3A, %bitcast3A_831 : vector<32xbf16>
        %add3A_833 = arith.addf %scan3A_805, %mul3A_832 : vector<32xbf16>
        %gather3A_834 = tpu.vector_load_idx %arg11[%add3A_675, %and3A_821] : memref<192x64xf32, #tpu.memory_space<vmem>>[vector<16xi32>, vector<16xi32>], vector<16xf32>,
        %bitcast3A_835 = vector.bitcast %gather3A_834 : vector<16xf32> to vector<32xbf16>
        %mul3A_836 = arith.mulf %bitcast3A, %bitcast3A_835 : vector<32xbf16>
        %add3A_837 = arith.addf %scan3A_806, %mul3A_836 : vector<32xbf16>
        %gather3A_838 = tpu.vector_load_idx %arg11[%add3A_678, %and3A_821] : memref<192x64xf32, #tpu.memory_space<vmem>>[vector<16xi32>, vector<16xi32>], vector<16xf32>,
        %bitcast3A_839 = vector.bitcast %gather3A_838 : vector<16xf32> to vector<32xbf16>
        %mul3A_840 = arith.mulf %bitcast3A, %bitcast3A_839 : vector<32xbf16>
        %add3A_841 = arith.addf %scan3A_807, %mul3A_840 : vector<32xbf16>
        %gather3A_842 = tpu.vector_load_idx %arg11[%add3A_681, %and3A_821] : memref<192x64xf32, #tpu.memory_space<vmem>>[vector<16xi32>, vector<16xi32>], vector<16xf32>,
        %bitcast3A_843 = vector.bitcast %gather3A_842 : vector<16xf32> to vector<32xbf16>
        %mul3A_844 = arith.mulf %bitcast3A, %bitcast3A_843 : vector<32xbf16>
        %add3A_845 = arith.addf %scan3A_808, %mul3A_844 : vector<32xbf16>
        %gather3A_846 = tpu.vector_load_idx %arg11[%add3A_684, %and3A_821] : memref<192x64xf32, #tpu.memory_space<vmem>>[vector<16xi32>, vector<16xi32>], vector<16xf32>,
        %bitcast3A_847 = vector.bitcast %gather3A_846 : vector<16xf32> to vector<32xbf16>
        %mul3A_848 = arith.mulf %bitcast3A, %bitcast3A_847 : vector<32xbf16>
        %add3A_849 = arith.addf %scan3A_809, %mul3A_848 : vector<32xbf16>
        %gather3A_850 = tpu.vector_load_idx %arg11[%add3A_687, %and3A_821] : memref<192x64xf32, #tpu.memory_space<vmem>>[vector<16xi32>, vector<16xi32>], vector<16xf32>,
        %bitcast3A_851 = vector.bitcast %gather3A_850 : vector<16xf32> to vector<32xbf16>
        %mul3A_852 = arith.mulf %bitcast3A, %bitcast3A_851 : vector<32xbf16>
        %add3A_853 = arith.addf %scan3A_810, %mul3A_852 : vector<32xbf16>
        %gather3A_854 = tpu.vector_load_idx %arg11[%add3A_690, %and3A_821] : memref<192x64xf32, #tpu.memory_space<vmem>>[vector<16xi32>, vector<16xi32>], vector<16xf32>,
        %bitcast3A_855 = vector.bitcast %gather3A_854 : vector<16xf32> to vector<32xbf16>
        %mul3A_856 = arith.mulf %bitcast3A, %bitcast3A_855 : vector<32xbf16>
        %add3A_857 = arith.addf %scan3A_811, %mul3A_856 : vector<32xbf16>
        %gather3A_858 = tpu.vector_load_idx %arg11[%add3A_693, %and3A_821] : memref<192x64xf32, #tpu.memory_space<vmem>>[vector<16xi32>, vector<16xi32>], vector<16xf32>,
        %bitcast3A_859 = vector.bitcast %gather3A_858 : vector<16xf32> to vector<32xbf16>
        %mul3A_860 = arith.mulf %bitcast3A, %bitcast3A_859 : vector<32xbf16>
        %add3A_861 = arith.addf %scan3A_812, %mul3A_860 : vector<32xbf16>
        %gather3A_862 = tpu.vector_load_idx %arg11[%add3A_696, %and3A_821] : memref<192x64xf32, #tpu.memory_space<vmem>>[vector<16xi32>, vector<16xi32>], vector<16xf32>,
        %bitcast3A_863 = vector.bitcast %gather3A_862 : vector<16xf32> to vector<32xbf16>
        %mul3A_864 = arith.mulf %bitcast3A, %bitcast3A_863 : vector<32xbf16>
        %add3A_865 = arith.addf %scan3A_813, %mul3A_864 : vector<32xbf16>
        scf.yield %add3A_825, %add3A_829, %add3A_833, %add3A_837, %add3A_841, %add3A_845, %add3A_849, %add3A_853, %add3A_857, %add3A_861, %add3A_865 : vector<32xbf16>, vector<32xbf16>, vector<32xbf16>, vector<32xbf16>, vector<32xbf16>, vector<32xbf16>, vector<32xbf16>, vector<32xbf16>, vector<32xbf16>, vector<32xbf16>, vector<32xbf16>
      }
      %scan3A_702 = arith.constant 64 : i32
      %unpack3A_703 = tpu.unpack_subelements %scan3A_701#0, 0 {pack_format = #tpu.pack_format<interleaved>} : vector<32xbf16> -> vector<16xf32>
      %unpack3A_704 = tpu.unpack_subelements %scan3A_701#0, 1 {pack_format = #tpu.pack_format<interleaved>} : vector<32xbf16> -> vector<16xf32>
      %add3A_705 = arith.addf %unpack3A_703, %unpack3A_704 : vector<16xf32>
      %unpack3A_706 = tpu.unpack_subelements %scan3A_701#1, 0 {pack_format = #tpu.pack_format<interleaved>} : vector<32xbf16> -> vector<16xf32>
      %unpack3A_707 = tpu.unpack_subelements %scan3A_701#1, 1 {pack_format = #tpu.pack_format<interleaved>} : vector<32xbf16> -> vector<16xf32>
      %add3A_708 = arith.addf %unpack3A_706, %unpack3A_707 : vector<16xf32>
      %unpack3A_709 = tpu.unpack_subelements %scan3A_701#2, 0 {pack_format = #tpu.pack_format<interleaved>} : vector<32xbf16> -> vector<16xf32>
      %unpack3A_710 = tpu.unpack_subelements %scan3A_701#2, 1 {pack_format = #tpu.pack_format<interleaved>} : vector<32xbf16> -> vector<16xf32>
      %add3A_711 = arith.addf %unpack3A_709, %unpack3A_710 : vector<16xf32>
      %unpack3A_712 = tpu.unpack_subelements %scan3A_701#3, 0 {pack_format = #tpu.pack_format<interleaved>} : vector<32xbf16> -> vector<16xf32>
      %unpack3A_713 = tpu.unpack_subelements %scan3A_701#3, 1 {pack_format = #tpu.pack_format<interleaved>} : vector<32xbf16> -> vector<16xf32>
      %add3A_714 = arith.addf %unpack3A_712, %unpack3A_713 : vector<16xf32>
      %unpack3A_715 = tpu.unpack_subelements %scan3A_701#4, 0 {pack_format = #tpu.pack_format<interleaved>} : vector<32xbf16> -> vector<16xf32>
      %unpack3A_716 = tpu.unpack_subelements %scan3A_701#4, 1 {pack_format = #tpu.pack_format<interleaved>} : vector<32xbf16> -> vector<16xf32>
      %add3A_717 = arith.addf %unpack3A_715, %unpack3A_716 : vector<16xf32>
      %unpack3A_718 = tpu.unpack_subelements %scan3A_701#5, 0 {pack_format = #tpu.pack_format<interleaved>} : vector<32xbf16> -> vector<16xf32>
      %unpack3A_719 = tpu.unpack_subelements %scan3A_701#5, 1 {pack_format = #tpu.pack_format<interleaved>} : vector<32xbf16> -> vector<16xf32>
      %add3A_720 = arith.addf %unpack3A_718, %unpack3A_719 : vector<16xf32>
      %unpack3A_721 = tpu.unpack_subelements %scan3A_701#6, 0 {pack_format = #tpu.pack_format<interleaved>} : vector<32xbf16> -> vector<16xf32>
      %unpack3A_722 = tpu.unpack_subelements %scan3A_701#6, 1 {pack_format = #tpu.pack_format<interleaved>} : vector<32xbf16> -> vector<16xf32>
      %add3A_723 = arith.addf %unpack3A_721, %unpack3A_722 : vector<16xf32>
      %unpack3A_724 = tpu.unpack_subelements %scan3A_701#7, 0 {pack_format = #tpu.pack_format<interleaved>} : vector<32xbf16> -> vector<16xf32>
      %unpack3A_725 = tpu.unpack_subelements %scan3A_701#7, 1 {pack_format = #tpu.pack_format<interleaved>} : vector<32xbf16> -> vector<16xf32>
      %add3A_726 = arith.addf %unpack3A_724, %unpack3A_725 : vector<16xf32>
      %unpack3A_727 = tpu.unpack_subelements %scan3A_701#8, 0 {pack_format = #tpu.pack_format<interleaved>} : vector<32xbf16> -> vector<16xf32>
      %unpack3A_728 = tpu.unpack_subelements %scan3A_701#8, 1 {pack_format = #tpu.pack_format<interleaved>} : vector<32xbf16> -> vector<16xf32>
      %add3A_729 = arith.addf %unpack3A_727, %unpack3A_728 : vector<16xf32>
      %unpack3A_730 = tpu.unpack_subelements %scan3A_701#9, 0 {pack_format = #tpu.pack_format<interleaved>} : vector<32xbf16> -> vector<16xf32>
      %unpack3A_731 = tpu.unpack_subelements %scan3A_701#9, 1 {pack_format = #tpu.pack_format<interleaved>} : vector<32xbf16> -> vector<16xf32>
      %add3A_732 = arith.addf %unpack3A_730, %unpack3A_731 : vector<16xf32>
      %unpack3A_733 = tpu.unpack_subelements %scan3A_701#10, 0 {pack_format = #tpu.pack_format<interleaved>} : vector<32xbf16> -> vector<16xf32>
      %unpack3A_734 = tpu.unpack_subelements %scan3A_701#10, 1 {pack_format = #tpu.pack_format<interleaved>} : vector<32xbf16> -> vector<16xf32>
      %add3A_735 = arith.addf %unpack3A_733, %unpack3A_734 : vector<16xf32>
      %mul3A_736 = arith.constant 2.000000e+00 : f32
      %mul3A_737 = vector.broadcast %mul3A_736 : f32 to vector<16xf32>
      %mul3A_738 = arith.mulf %add3A_705, %mul3A_737 : vector<16xf32>
      %exp3A_739 = math.exp %mul3A_738 : vector<16xf32>
      %mul3A_740 = arith.constant 2.000000e+00 : f32
      %mul3A_741 = vector.broadcast %mul3A_740 : f32 to vector<16xf32>
      %mul3A_742 = arith.mulf %add3A_708, %mul3A_741 : vector<16xf32>
      %exp3A_743 = math.exp %mul3A_742 : vector<16xf32>
      %add3A_744 = arith.addf %exp3A_739, %exp3A_743 : vector<16xf32>
      %mul3A_745 = arith.constant 2.000000e+00 : f32
      %mul3A_746 = vector.broadcast %mul3A_745 : f32 to vector<16xf32>
      %mul3A_747 = arith.mulf %add3A_711, %mul3A_746 : vector<16xf32>
      %exp3A_748 = math.exp %mul3A_747 : vector<16xf32>
      %add3A_749 = arith.addf %add3A_744, %exp3A_748 : vector<16xf32>
      %mul3A_750 = arith.constant 2.000000e+00 : f32
      %mul3A_751 = vector.broadcast %mul3A_750 : f32 to vector<16xf32>
      %mul3A_752 = arith.mulf %add3A_714, %mul3A_751 : vector<16xf32>
      %exp3A_753 = math.exp %mul3A_752 : vector<16xf32>
      %add3A_754 = arith.addf %add3A_749, %exp3A_753 : vector<16xf32>
      %mul3A_755 = arith.constant 2.000000e+00 : f32
      %mul3A_756 = vector.broadcast %mul3A_755 : f32 to vector<16xf32>
      %mul3A_757 = arith.mulf %add3A_717, %mul3A_756 : vector<16xf32>
      %exp3A_758 = math.exp %mul3A_757 : vector<16xf32>
      %add3A_759 = arith.addf %add3A_754, %exp3A_758 : vector<16xf32>
      %mul3A_760 = arith.constant 2.000000e+00 : f32
      %mul3A_761 = vector.broadcast %mul3A_760 : f32 to vector<16xf32>
      %mul3A_762 = arith.mulf %add3A_720, %mul3A_761 : vector<16xf32>
      %exp3A_763 = math.exp %mul3A_762 : vector<16xf32>
      %add3A_764 = arith.addf %add3A_759, %exp3A_763 : vector<16xf32>
      %mul3A_765 = arith.constant 2.000000e+00 : f32
      %mul3A_766 = vector.broadcast %mul3A_765 : f32 to vector<16xf32>
      %mul3A_767 = arith.mulf %add3A_723, %mul3A_766 : vector<16xf32>
      %exp3A_768 = math.exp %mul3A_767 : vector<16xf32>
      %add3A_769 = arith.addf %add3A_764, %exp3A_768 : vector<16xf32>
      %mul3A_770 = arith.constant 2.000000e+00 : f32
      %mul3A_771 = vector.broadcast %mul3A_770 : f32 to vector<16xf32>
      %mul3A_772 = arith.mulf %add3A_726, %mul3A_771 : vector<16xf32>
      %exp3A_773 = math.exp %mul3A_772 : vector<16xf32>
      %add3A_774 = arith.addf %add3A_769, %exp3A_773 : vector<16xf32>
      %mul3A_775 = arith.constant 2.000000e+00 : f32
      %mul3A_776 = vector.broadcast %mul3A_775 : f32 to vector<16xf32>
      %mul3A_777 = arith.mulf %add3A_729, %mul3A_776 : vector<16xf32>
      %exp3A_778 = math.exp %mul3A_777 : vector<16xf32>
      %add3A_779 = arith.addf %add3A_774, %exp3A_778 : vector<16xf32>
      %mul3A_780 = arith.constant 2.000000e+00 : f32
      %mul3A_781 = vector.broadcast %mul3A_780 : f32 to vector<16xf32>
      %mul3A_782 = arith.mulf %add3A_732, %mul3A_781 : vector<16xf32>
      %exp3A_783 = math.exp %mul3A_782 : vector<16xf32>
      %add3A_784 = arith.addf %add3A_779, %exp3A_783 : vector<16xf32>
      %mul3A_785 = arith.constant 2.000000e+00 : f32
      %mul3A_786 = vector.broadcast %mul3A_785 : f32 to vector<16xf32>
      %mul3A_787 = arith.mulf %add3A_735, %mul3A_786 : vector<16xf32>
      %exp3A_788 = math.exp %mul3A_787 : vector<16xf32>
      %add3A_789 = arith.addf %add3A_784, %exp3A_788 : vector<16xf32>
      %mul3A_790 = arith.constant 16 : i32
      %mul3A_791 = arith.muli %add3A_642, %mul3A_790 : i32
      %add3A_792 = arith.constant 0 : i32
      %add3A_793 = arith.addi %mul3A_791, %add3A_792 : i32
      %swap3A_794 = arith.index_cast %add3A_793 : i32 to index
      %swap3A_795 = tpu.vector_load %arg12[%swap3A_794] {strides = array<i32>} : memref<10000xf32, #tpu.memory_space<vmem>>, vector<16xf32>,
      tpu.vector_store %arg12[%swap3A_794], %add3A_789 {strides = array<i32>} : memref<10000xf32, #tpu.memory_space<vmem>>, vector<16xf32>,
      %mul3A_796 = arith.constant 16 : i32
      %mul3A_797 = arith.muli %add3A_642, %mul3A_796 : i32
      %add3A_798 = arith.constant 0 : i32
      %add3A_799 = arith.addi %mul3A_797, %add3A_798 : i32
      %swap3A_800 = arith.index_cast %add3A_799 : i32 to index
      %swap3A_801 = tpu.vector_load %arg13[%swap3A_800] {strides = array<i32>} : memref<10000xf32, #tpu.memory_space<vmem>>, vector<16xf32>,
      tpu.vector_store %arg13[%swap3A_800], %add3A_705 {strides = array<i32>} : memref<10000xf32, #tpu.memory_space<vmem>>, vector<16xf32>,
    }
    %scan3A_143 = arith.constant 208 : i32
    %dma_wait3A_144 = arith.constant 0 : i32
    %dma_wait3A_145 = arith.constant 0 : i32
    %dma_wait3A_146 = tpu.memref_slice %arg2[%dma_wait3A_144, %dma_wait3A_145] : memref<10000x64xf32, #tpu.memory_space<hbm>> -> memref<192x64xf32, #tpu.memory_space<hbm>>
    %dma_wait3A_147 = arith.constant 0 : i32
    %dma_wait3A_148 = arith.constant 0 : i32
    %dma_wait3A_149 = tpu.memref_slice %arg2[%dma_wait3A_147, %dma_wait3A_148] : memref<10000x64xf32, #tpu.memory_space<hbm>> -> memref<192x64xf32, #tpu.memory_space<hbm>>
    tpu.wait_dma2 semaphore(%arg18 : memref<!tpu.dma_semaphore, #tpu.memory_space<semaphore_mem>>) src(%dma_wait3A_149 : memref<192x64xf32, #tpu.memory_space<hbm>>) dst(%arg9 : memref<192x64xf32, #tpu.memory_space<vmem>>)
    %broadcast_in_dim3A = arith.constant 0.000000e+00 : bf16
    %broadcast_in_dim3A_150 = vector.broadcast %broadcast_in_dim3A : bf16 to vector<32xbf16>
    %add3A_151 = arith.constant 0 : i32
    %add3A_152 = vector.broadcast %add3A_151 : i32 to vector<16xi32>
    %add3A_153 = arith.addi %add3A_16, %add3A_152 : vector<16xi32>
    %add3A_154 = arith.constant 0 : i32
    %add3A_155 = vector.broadcast %add3A_154 : i32 to vector<16xi32>
    %add3A_156 = arith.addi %add3A_22, %add3A_155 : vector<16xi32>
    %add3A_157 = arith.constant 0 : i32
    %add3A_158 = vector.broadcast %add3A_157 : i32 to vector<16xi32>
    %add3A_159 = arith.addi %add3A_28, %add3A_158 : vector<16xi32>
    %add3A_160 = arith.constant 0 : i32
    %add3A_161 = vector.broadcast %add3A_160 : i32 to vector<16xi32>
    %add3A_162 = arith.addi %add3A_34, %add3A_161 : vector<16xi32>
    %add3A_163 = arith.constant 0 : i32
    %add3A_164 = vector.broadcast %add3A_163 : i32 to vector<16xi32>
    %add3A_165 = arith.addi %add3A_40, %add3A_164 : vector<16xi32>
    %add3A_166 = arith.constant 0 : i32
    %add3A_167 = vector.broadcast %add3A_166 : i32 to vector<16xi32>
    %add3A_168 = arith.addi %add3A_46, %add3A_167 : vector<16xi32>
    %add3A_169 = arith.constant 0 : i32
    %add3A_170 = vector.broadcast %add3A_169 : i32 to vector<16xi32>
    %add3A_171 = arith.addi %add3A_52, %add3A_170 : vector<16xi32>
    %add3A_172 = arith.constant 0 : i32
    %add3A_173 = vector.broadcast %add3A_172 : i32 to vector<16xi32>
    %add3A_174 = arith.addi %add3A_58, %add3A_173 : vector<16xi32>
    %add3A_175 = arith.constant 0 : i32
    %add3A_176 = vector.broadcast %add3A_175 : i32 to vector<16xi32>
    %add3A_177 = arith.addi %add3A_64, %add3A_176 : vector<16xi32>
    %add3A_178 = arith.constant 0 : i32
    %add3A_179 = vector.broadcast %add3A_178 : i32 to vector<16xi32>
    %add3A_180 = arith.addi %add3A_70, %add3A_179 : vector<16xi32>
    %add3A_181 = arith.constant 0 : i32
    %add3A_182 = vector.broadcast %add3A_181 : i32 to vector<16xi32>
    %add3A_183 = arith.addi %add3A_76, %add3A_182 : vector<16xi32>
    %add3A_184 = arith.constant 0 : i32
    %add3A_185 = vector.broadcast %add3A_184 : i32 to vector<16xi32>
    %add3A_186 = arith.addi %add3A_82, %add3A_185 : vector<16xi32>
    %scan3A_187 = arith.constant 0 : i32
    %scan3A_188 = arith.constant 64 : i32
    %scan3A_189 = arith.addi %scan3A_187, %scan3A_188 : i32
    %scan3A_190 = arith.constant 1 : i32
    %scan3A_191:11 = scf.for %scan3A_281 = %scan3A_187 to %scan3A_189 step %scan3A_190 iter_args(%scan3A_282 = %broadcast_in_dim3A_150, %scan3A_283 = %broadcast_in_dim3A_150, %scan3A_284 = %broadcast_in_dim3A_150, %scan3A_285 = %broadcast_in_dim3A_150, %scan3A_286 = %broadcast_in_dim3A_150, %scan3A_287 = %broadcast_in_dim3A_150, %scan3A_288 = %broadcast_in_dim3A_150, %scan3A_289 = %broadcast_in_dim3A_150, %scan3A_290 = %broadcast_in_dim3A_150, %scan3A_291 = %broadcast_in_dim3A_150, %scan3A_292 = %broadcast_in_dim3A_150) -> (vector<32xbf16>, vector<32xbf16>, vector<32xbf16>, vector<32xbf16>, vector<32xbf16>, vector<32xbf16>, vector<32xbf16>, vector<32xbf16>, vector<32xbf16>, vector<32xbf16>, vector<32xbf16>)  : i32 {
      %mul3A_293 = arith.constant 1 : i32
      %mul3A_294 = arith.muli %scan3A_281, %mul3A_293 : i32
      %add3A_295 = arith.constant 0 : i32
      %add3A_296 = arith.addi %mul3A_294, %add3A_295 : i32
      %add3A_297 = vector.broadcast %add3A_296 : i32 to vector<16xi32>
      %add3A_298 = arith.addi %add3A_297, %mul3A_3 : vector<16xi32>
      %and3A = arith.constant 63 : i32
      %and3A_299 = vector.broadcast %and3A : i32 to vector<16xi32>
      %and3A_300 = arith.andi %add3A_298, %and3A_299 : vector<16xi32>
      %gather3A = tpu.vector_load_idx %arg9[%add3A_153, %and3A_300] : memref<192x64xf32, #tpu.memory_space<vmem>>[vector<16xi32>, vector<16xi32>], vector<16xf32>,
      %bitcast3A = vector.bitcast %gather3A : vector<16xf32> to vector<32xbf16>
      %gather3A_301 = tpu.vector_load_idx %arg9[%add3A_156, %and3A_300] : memref<192x64xf32, #tpu.memory_space<vmem>>[vector<16xi32>, vector<16xi32>], vector<16xf32>,
      %bitcast3A_302 = vector.bitcast %gather3A_301 : vector<16xf32> to vector<32xbf16>
      %mul3A_303 = arith.mulf %bitcast3A, %bitcast3A_302 : vector<32xbf16>
      %add3A_304 = arith.addf %scan3A_282, %mul3A_303 : vector<32xbf16>
      %gather3A_305 = tpu.vector_load_idx %arg9[%add3A_159, %and3A_300] : memref<192x64xf32, #tpu.memory_space<vmem>>[vector<16xi32>, vector<16xi32>], vector<16xf32>,
      %bitcast3A_306 = vector.bitcast %gather3A_305 : vector<16xf32> to vector<32xbf16>
      %mul3A_307 = arith.mulf %bitcast3A, %bitcast3A_306 : vector<32xbf16>
      %add3A_308 = arith.addf %scan3A_283, %mul3A_307 : vector<32xbf16>
      %gather3A_309 = tpu.vector_load_idx %arg9[%add3A_162, %and3A_300] : memref<192x64xf32, #tpu.memory_space<vmem>>[vector<16xi32>, vector<16xi32>], vector<16xf32>,
      %bitcast3A_310 = vector.bitcast %gather3A_309 : vector<16xf32> to vector<32xbf16>
      %mul3A_311 = arith.mulf %bitcast3A, %bitcast3A_310 : vector<32xbf16>
      %add3A_312 = arith.addf %scan3A_284, %mul3A_311 : vector<32xbf16>
      %gather3A_313 = tpu.vector_load_idx %arg9[%add3A_165, %and3A_300] : memref<192x64xf32, #tpu.memory_space<vmem>>[vector<16xi32>, vector<16xi32>], vector<16xf32>,
      %bitcast3A_314 = vector.bitcast %gather3A_313 : vector<16xf32> to vector<32xbf16>
      %mul3A_315 = arith.mulf %bitcast3A, %bitcast3A_314 : vector<32xbf16>
      %add3A_316 = arith.addf %scan3A_285, %mul3A_315 : vector<32xbf16>
      %gather3A_317 = tpu.vector_load_idx %arg9[%add3A_168, %and3A_300] : memref<192x64xf32, #tpu.memory_space<vmem>>[vector<16xi32>, vector<16xi32>], vector<16xf32>,
      %bitcast3A_318 = vector.bitcast %gather3A_317 : vector<16xf32> to vector<32xbf16>
      %mul3A_319 = arith.mulf %bitcast3A, %bitcast3A_318 : vector<32xbf16>
      %add3A_320 = arith.addf %scan3A_286, %mul3A_319 : vector<32xbf16>
      %gather3A_321 = tpu.vector_load_idx %arg9[%add3A_171, %and3A_300] : memref<192x64xf32, #tpu.memory_space<vmem>>[vector<16xi32>, vector<16xi32>], vector<16xf32>,
      %bitcast3A_322 = vector.bitcast %gather3A_321 : vector<16xf32> to vector<32xbf16>
      %mul3A_323 = arith.mulf %bitcast3A, %bitcast3A_322 : vector<32xbf16>
      %add3A_324 = arith.addf %scan3A_287, %mul3A_323 : vector<32xbf16>
      %gather3A_325 = tpu.vector_load_idx %arg9[%add3A_174, %and3A_300] : memref<192x64xf32, #tpu.memory_space<vmem>>[vector<16xi32>, vector<16xi32>], vector<16xf32>,
      %bitcast3A_326 = vector.bitcast %gather3A_325 : vector<16xf32> to vector<32xbf16>
      %mul3A_327 = arith.mulf %bitcast3A, %bitcast3A_326 : vector<32xbf16>
      %add3A_328 = arith.addf %scan3A_288, %mul3A_327 : vector<32xbf16>
      %gather3A_329 = tpu.vector_load_idx %arg9[%add3A_177, %and3A_300] : memref<192x64xf32, #tpu.memory_space<vmem>>[vector<16xi32>, vector<16xi32>], vector<16xf32>,
      %bitcast3A_330 = vector.bitcast %gather3A_329 : vector<16xf32> to vector<32xbf16>
      %mul3A_331 = arith.mulf %bitcast3A, %bitcast3A_330 : vector<32xbf16>
      %add3A_332 = arith.addf %scan3A_289, %mul3A_331 : vector<32xbf16>
      %gather3A_333 = tpu.vector_load_idx %arg9[%add3A_180, %and3A_300] : memref<192x64xf32, #tpu.memory_space<vmem>>[vector<16xi32>, vector<16xi32>], vector<16xf32>,
      %bitcast3A_334 = vector.bitcast %gather3A_333 : vector<16xf32> to vector<32xbf16>
      %mul3A_335 = arith.mulf %bitcast3A, %bitcast3A_334 : vector<32xbf16>
      %add3A_336 = arith.addf %scan3A_290, %mul3A_335 : vector<32xbf16>
      %gather3A_337 = tpu.vector_load_idx %arg9[%add3A_183, %and3A_300] : memref<192x64xf32, #tpu.memory_space<vmem>>[vector<16xi32>, vector<16xi32>], vector<16xf32>,
      %bitcast3A_338 = vector.bitcast %gather3A_337 : vector<16xf32> to vector<32xbf16>
      %mul3A_339 = arith.mulf %bitcast3A, %bitcast3A_338 : vector<32xbf16>
      %add3A_340 = arith.addf %scan3A_291, %mul3A_339 : vector<32xbf16>
      %gather3A_341 = tpu.vector_load_idx %arg9[%add3A_186, %and3A_300] : memref<192x64xf32, #tpu.memory_space<vmem>>[vector<16xi32>, vector<16xi32>], vector<16xf32>,
      %bitcast3A_342 = vector.bitcast %gather3A_341 : vector<16xf32> to vector<32xbf16>
      %mul3A_343 = arith.mulf %bitcast3A, %bitcast3A_342 : vector<32xbf16>
      %add3A_344 = arith.addf %scan3A_292, %mul3A_343 : vector<32xbf16>
      scf.yield %add3A_304, %add3A_308, %add3A_312, %add3A_316, %add3A_320, %add3A_324, %add3A_328, %add3A_332, %add3A_336, %add3A_340, %add3A_344 : vector<32xbf16>, vector<32xbf16>, vector<32xbf16>, vector<32xbf16>, vector<32xbf16>, vector<32xbf16>, vector<32xbf16>, vector<32xbf16>, vector<32xbf16>, vector<32xbf16>, vector<32xbf16>
    }
    %scan3A_192 = arith.constant 64 : i32
    %unpack3A = tpu.unpack_subelements %scan3A_191#0, 0 {pack_format = #tpu.pack_format<interleaved>} : vector<32xbf16> -> vector<16xf32>
    %unpack3A_193 = tpu.unpack_subelements %scan3A_191#0, 1 {pack_format = #tpu.pack_format<interleaved>} : vector<32xbf16> -> vector<16xf32>
    %add3A_194 = arith.addf %unpack3A, %unpack3A_193 : vector<16xf32>
    %unpack3A_195 = tpu.unpack_subelements %scan3A_191#1, 0 {pack_format = #tpu.pack_format<interleaved>} : vector<32xbf16> -> vector<16xf32>
    %unpack3A_196 = tpu.unpack_subelements %scan3A_191#1, 1 {pack_format = #tpu.pack_format<interleaved>} : vector<32xbf16> -> vector<16xf32>
    %add3A_197 = arith.addf %unpack3A_195, %unpack3A_196 : vector<16xf32>
    %unpack3A_198 = tpu.unpack_subelements %scan3A_191#2, 0 {pack_format = #tpu.pack_format<interleaved>} : vector<32xbf16> -> vector<16xf32>
    %unpack3A_199 = tpu.unpack_subelements %scan3A_191#2, 1 {pack_format = #tpu.pack_format<interleaved>} : vector<32xbf16> -> vector<16xf32>
    %add3A_200 = arith.addf %unpack3A_198, %unpack3A_199 : vector<16xf32>
    %unpack3A_201 = tpu.unpack_subelements %scan3A_191#3, 0 {pack_format = #tpu.pack_format<interleaved>} : vector<32xbf16> -> vector<16xf32>
    %unpack3A_202 = tpu.unpack_subelements %scan3A_191#3, 1 {pack_format = #tpu.pack_format<interleaved>} : vector<32xbf16> -> vector<16xf32>
    %add3A_203 = arith.addf %unpack3A_201, %unpack3A_202 : vector<16xf32>
    %unpack3A_204 = tpu.unpack_subelements %scan3A_191#4, 0 {pack_format = #tpu.pack_format<interleaved>} : vector<32xbf16> -> vector<16xf32>
    %unpack3A_205 = tpu.unpack_subelements %scan3A_191#4, 1 {pack_format = #tpu.pack_format<interleaved>} : vector<32xbf16> -> vector<16xf32>
    %add3A_206 = arith.addf %unpack3A_204, %unpack3A_205 : vector<16xf32>
    %unpack3A_207 = tpu.unpack_subelements %scan3A_191#5, 0 {pack_format = #tpu.pack_format<interleaved>} : vector<32xbf16> -> vector<16xf32>
    %unpack3A_208 = tpu.unpack_subelements %scan3A_191#5, 1 {pack_format = #tpu.pack_format<interleaved>} : vector<32xbf16> -> vector<16xf32>
    %add3A_209 = arith.addf %unpack3A_207, %unpack3A_208 : vector<16xf32>
    %unpack3A_210 = tpu.unpack_subelements %scan3A_191#6, 0 {pack_format = #tpu.pack_format<interleaved>} : vector<32xbf16> -> vector<16xf32>
    %unpack3A_211 = tpu.unpack_subelements %scan3A_191#6, 1 {pack_format = #tpu.pack_format<interleaved>} : vector<32xbf16> -> vector<16xf32>
    %add3A_212 = arith.addf %unpack3A_210, %unpack3A_211 : vector<16xf32>
    %unpack3A_213 = tpu.unpack_subelements %scan3A_191#7, 0 {pack_format = #tpu.pack_format<interleaved>} : vector<32xbf16> -> vector<16xf32>
    %unpack3A_214 = tpu.unpack_subelements %scan3A_191#7, 1 {pack_format = #tpu.pack_format<interleaved>} : vector<32xbf16> -> vector<16xf32>
    %add3A_215 = arith.addf %unpack3A_213, %unpack3A_214 : vector<16xf32>
    %unpack3A_216 = tpu.unpack_subelements %scan3A_191#8, 0 {pack_format = #tpu.pack_format<interleaved>} : vector<32xbf16> -> vector<16xf32>
    %unpack3A_217 = tpu.unpack_subelements %scan3A_191#8, 1 {pack_format = #tpu.pack_format<interleaved>} : vector<32xbf16> -> vector<16xf32>
    %add3A_218 = arith.addf %unpack3A_216, %unpack3A_217 : vector<16xf32>
    %unpack3A_219 = tpu.unpack_subelements %scan3A_191#9, 0 {pack_format = #tpu.pack_format<interleaved>} : vector<32xbf16> -> vector<16xf32>
    %unpack3A_220 = tpu.unpack_subelements %scan3A_191#9, 1 {pack_format = #tpu.pack_format<interleaved>} : vector<32xbf16> -> vector<16xf32>
    %add3A_221 = arith.addf %unpack3A_219, %unpack3A_220 : vector<16xf32>
    %unpack3A_222 = tpu.unpack_subelements %scan3A_191#10, 0 {pack_format = #tpu.pack_format<interleaved>} : vector<32xbf16> -> vector<16xf32>
    %unpack3A_223 = tpu.unpack_subelements %scan3A_191#10, 1 {pack_format = #tpu.pack_format<interleaved>} : vector<32xbf16> -> vector<16xf32>
    %add3A_224 = arith.addf %unpack3A_222, %unpack3A_223 : vector<16xf32>
    %mul3A_225 = arith.constant 2.000000e+00 : f32
    %mul3A_226 = vector.broadcast %mul3A_225 : f32 to vector<16xf32>
    %mul3A_227 = arith.mulf %add3A_194, %mul3A_226 : vector<16xf32>
    %exp3A = math.exp %mul3A_227 : vector<16xf32>
    %mul3A_228 = arith.constant 2.000000e+00 : f32
    %mul3A_229 = vector.broadcast %mul3A_228 : f32 to vector<16xf32>
    %mul3A_230 = arith.mulf %add3A_197, %mul3A_229 : vector<16xf32>
    %exp3A_231 = math.exp %mul3A_230 : vector<16xf32>
    %add3A_232 = arith.addf %exp3A, %exp3A_231 : vector<16xf32>
    %mul3A_233 = arith.constant 2.000000e+00 : f32
    %mul3A_234 = vector.broadcast %mul3A_233 : f32 to vector<16xf32>
    %mul3A_235 = arith.mulf %add3A_200, %mul3A_234 : vector<16xf32>
    %exp3A_236 = math.exp %mul3A_235 : vector<16xf32>
    %add3A_237 = arith.addf %add3A_232, %exp3A_236 : vector<16xf32>
    %mul3A_238 = arith.constant 2.000000e+00 : f32
    %mul3A_239 = vector.broadcast %mul3A_238 : f32 to vector<16xf32>
    %mul3A_240 = arith.mulf %add3A_203, %mul3A_239 : vector<16xf32>
    %exp3A_241 = math.exp %mul3A_240 : vector<16xf32>
    %add3A_242 = arith.addf %add3A_237, %exp3A_241 : vector<16xf32>
    %mul3A_243 = arith.constant 2.000000e+00 : f32
    %mul3A_244 = vector.broadcast %mul3A_243 : f32 to vector<16xf32>
    %mul3A_245 = arith.mulf %add3A_206, %mul3A_244 : vector<16xf32>
    %exp3A_246 = math.exp %mul3A_245 : vector<16xf32>
    %add3A_247 = arith.addf %add3A_242, %exp3A_246 : vector<16xf32>
    %mul3A_248 = arith.constant 2.000000e+00 : f32
    %mul3A_249 = vector.broadcast %mul3A_248 : f32 to vector<16xf32>
    %mul3A_250 = arith.mulf %add3A_209, %mul3A_249 : vector<16xf32>
    %exp3A_251 = math.exp %mul3A_250 : vector<16xf32>
    %add3A_252 = arith.addf %add3A_247, %exp3A_251 : vector<16xf32>
    %mul3A_253 = arith.constant 2.000000e+00 : f32
    %mul3A_254 = vector.broadcast %mul3A_253 : f32 to vector<16xf32>
    %mul3A_255 = arith.mulf %add3A_212, %mul3A_254 : vector<16xf32>
    %exp3A_256 = math.exp %mul3A_255 : vector<16xf32>
    %add3A_257 = arith.addf %add3A_252, %exp3A_256 : vector<16xf32>
    %mul3A_258 = arith.constant 2.000000e+00 : f32
    %mul3A_259 = vector.broadcast %mul3A_258 : f32 to vector<16xf32>
    %mul3A_260 = arith.mulf %add3A_215, %mul3A_259 : vector<16xf32>
    %exp3A_261 = math.exp %mul3A_260 : vector<16xf32>
    %add3A_262 = arith.addf %add3A_257, %exp3A_261 : vector<16xf32>
    %mul3A_263 = arith.constant 2.000000e+00 : f32
    %mul3A_264 = vector.broadcast %mul3A_263 : f32 to vector<16xf32>
    %mul3A_265 = arith.mulf %add3A_218, %mul3A_264 : vector<16xf32>
    %exp3A_266 = math.exp %mul3A_265 : vector<16xf32>
    %add3A_267 = arith.addf %add3A_262, %exp3A_266 : vector<16xf32>
    %mul3A_268 = arith.constant 2.000000e+00 : f32
    %mul3A_269 = vector.broadcast %mul3A_268 : f32 to vector<16xf32>
    %mul3A_270 = arith.mulf %add3A_221, %mul3A_269 : vector<16xf32>
    %exp3A_271 = math.exp %mul3A_270 : vector<16xf32>
    %add3A_272 = arith.addf %add3A_267, %exp3A_271 : vector<16xf32>
    %mul3A_273 = arith.constant 2.000000e+00 : f32
    %mul3A_274 = vector.broadcast %mul3A_273 : f32 to vector<16xf32>
    %mul3A_275 = arith.mulf %add3A_224, %mul3A_274 : vector<16xf32>
    %exp3A_276 = math.exp %mul3A_275 : vector<16xf32>
    %add3A_277 = arith.addf %add3A_272, %exp3A_276 : vector<16xf32>
    %swap3A = arith.constant 9984 : index
    %swap3A_278 = tpu.vector_load %arg12[%swap3A] {strides = array<i32>} : memref<10000xf32, #tpu.memory_space<vmem>>, vector<16xf32>,
    tpu.vector_store %arg12[%swap3A], %add3A_277 {strides = array<i32>} : memref<10000xf32, #tpu.memory_space<vmem>>, vector<16xf32>,
    %swap3A_279 = arith.constant 9984 : index
    %swap3A_280 = tpu.vector_load %arg13[%swap3A_279] {strides = array<i32>} : memref<10000xf32, #tpu.memory_space<vmem>>, vector<16xf32>,
    tpu.vector_store %arg13[%swap3A_279], %add3A_194 {strides = array<i32>} : memref<10000xf32, #tpu.memory_space<vmem>>, vector<16xf32>,
    "tpu.region"() ({
      %run_scoped3A = tpu.sem_alloc : memref<!tpu.dma_semaphore, #tpu.memory_space<semaphore_mem>>
      %dma_start3A_281 = tpu.memref_slice %arg4[%mul3A_5] : memref<320000xf32, #tpu.memory_space<hbm>> -> memref<10000xf32, #tpu.memory_space<hbm>>
      %dma_start3A_282 = tpu.memref_slice %arg4[%mul3A_5] : memref<320000xf32, #tpu.memory_space<hbm>> -> memref<10000xf32, #tpu.memory_space<hbm>>
      tpu.enqueue_dma source(%arg12 : memref<10000xf32, #tpu.memory_space<vmem>>) target(%dma_start3A_282 : memref<10000xf32, #tpu.memory_space<hbm>>) target_semaphore(%run_scoped3A : memref<!tpu.dma_semaphore, #tpu.memory_space<semaphore_mem>>)
      %dma_wait3A_283 = tpu.memref_slice %arg4[%mul3A_5] : memref<320000xf32, #tpu.memory_space<hbm>> -> memref<10000xf32, #tpu.memory_space<hbm>>
      %dma_wait3A_284 = tpu.memref_slice %arg4[%mul3A_5] : memref<320000xf32, #tpu.memory_space<hbm>> -> memref<10000xf32, #tpu.memory_space<hbm>>
      tpu.wait_dma2 semaphore(%run_scoped3A : memref<!tpu.dma_semaphore, #tpu.memory_space<semaphore_mem>>) src(%arg12 : memref<10000xf32, #tpu.memory_space<vmem>>) dst(%dma_wait3A_284 : memref<10000xf32, #tpu.memory_space<hbm>>)
      tpu.yield
    }) : () -> ()
    "tpu.region"() ({
      %run_scoped3A = tpu.sem_alloc : memref<!tpu.dma_semaphore, #tpu.memory_space<semaphore_mem>>
      %dma_start3A_281 = tpu.memref_slice %arg5[%mul3A_5] : memref<320000xf32, #tpu.memory_space<hbm>> -> memref<10000xf32, #tpu.memory_space<hbm>>
      %dma_start3A_282 = tpu.memref_slice %arg5[%mul3A_5] : memref<320000xf32, #tpu.memory_space<hbm>> -> memref<10000xf32, #tpu.memory_space<hbm>>
      tpu.enqueue_dma source(%arg13 : memref<10000xf32, #tpu.memory_space<vmem>>) target(%dma_start3A_282 : memref<10000xf32, #tpu.memory_space<hbm>>) target_semaphore(%run_scoped3A : memref<!tpu.dma_semaphore, #tpu.memory_space<semaphore_mem>>)
      %dma_wait3A_283 = tpu.memref_slice %arg5[%mul3A_5] : memref<320000xf32, #tpu.memory_space<hbm>> -> memref<10000xf32, #tpu.memory_space<hbm>>
      %dma_wait3A_284 = tpu.memref_slice %arg5[%mul3A_5] : memref<320000xf32, #tpu.memory_space<hbm>> -> memref<10000xf32, #tpu.memory_space<hbm>>
      tpu.wait_dma2 semaphore(%run_scoped3A : memref<!tpu.dma_semaphore, #tpu.memory_space<semaphore_mem>>) src(%arg13 : memref<10000xf32, #tpu.memory_space<vmem>>) dst(%dma_wait3A_284 : memref<10000xf32, #tpu.memory_space<hbm>>)
      tpu.yield
    }) : () -> ()
    return
  }
}

module attributes {stable_mosaic.version = 14 : i64} {
  func.func @_tc_normalize(%arg0: memref<10000x128xf32, #tpu.memory_space<vmem>>, %arg1: memref<10000x128xbf16, #tpu.memory_space<vmem>>) attributes {dimension_semantics = [], scalar_prefetch = 0 : i64, scratch_operands = 0 : i64, tpu.core_type = #tpu.core_type<tc>} {
    %get3A = arith.constant 0 : index
    %get3A_0 = arith.constant 0 : index
    %get3A_1 = vector.load %arg0[%get3A, %get3A_0] : memref<10000x128xf32, #tpu.memory_space<vmem>>, vector<10000x128xf32>
    %mul3A = arith.mulf %get3A_1, %get3A_1 : vector<10000x128xf32>
    %reduce_sum3A = arith.constant dense<0.000000e+00> : vector<10000xf32>
    %reduce_sum3A_2 = vector.multi_reduction <add>, %mul3A, %reduce_sum3A [1] : vector<10000x128xf32> to vector<10000xf32>
    %broadcast_in_dim3A = vector.shape_cast %reduce_sum3A_2 : vector<10000xf32> to vector<10000x1xf32>
    %sqrt3A = math.sqrt %broadcast_in_dim3A : vector<10000x1xf32>
    %max3A = arith.constant 9.99999996E-13 : f32
    %max3A_3 = vector.broadcast %max3A : f32 to vector<10000x1xf32>
    %max3A_4 = arith.maximumf %sqrt3A, %max3A_3 : vector<10000x1xf32>
    %div3A = vector.broadcast %max3A_4 : vector<10000x1xf32> to vector<10000x128xf32>
    %div3A_5 = arith.divf %get3A_1, %div3A : vector<10000x128xf32>
    %convert_element_type3A = arith.truncf %div3A_5 : vector<10000x128xf32> to vector<10000x128xbf16>
    %swap3A = arith.constant 0 : index
    %swap3A_6 = arith.constant 0 : index
    %swap3A_7 = vector.load %arg1[%swap3A, %swap3A_6] : memref<10000x128xbf16, #tpu.memory_space<vmem>>, vector<10000x128xbf16>
    tpu.vector_store %arg1[%swap3A, %swap3A_6], %convert_element_type3A {strides = array<i32>} : memref<10000x128xbf16, #tpu.memory_space<vmem>>, vector<10000x128xbf16>,
    return
  }
}

module attributes {stable_mosaic.version = 14 : i64} {
  func.func @_tc_finalize(%arg0: memref<2500x128xf32, #tpu.memory_space<vmem>>, %arg1: memref<2500x128xf32, #tpu.memory_space<vmem>>, %arg2: memref<1x1xf32, #tpu.memory_space<smem>>) attributes {dimension_semantics = [], scalar_prefetch = 0 : i64, scratch_operands = 0 : i64, tpu.core_type = #tpu.core_type<tc>} {
    %get3A = arith.constant 0 : index
    %get3A_0 = arith.constant 0 : index
    %get3A_1 = vector.load %arg0[%get3A, %get3A_0] : memref<2500x128xf32, #tpu.memory_space<vmem>>, vector<2500x128xf32>
    %log3A = math.log %get3A_1 : vector<2500x128xf32>
    %reduce_sum3A = vector.shape_cast %log3A : vector<2500x128xf32> to vector<1x2500x128xf32>
    %reduce_sum3A_2 = arith.constant dense<0.000000e+00> : vector<1xf32>
    %reduce_sum3A_3 = vector.multi_reduction <add>, %reduce_sum3A, %reduce_sum3A_2 [1, 2] : vector<1x2500x128xf32> to vector<1xf32>
    %reduce_sum3A_4 = vector.shape_cast %reduce_sum3A_3 : vector<1xf32> to vector<1x1x1xf32>
    %reduce_sum3A_5 = vector.extract %reduce_sum3A_4[0, 0, 0] : f32 from vector<1x1x1xf32>
    %get3A_6 = arith.constant 0 : index
    %get3A_7 = arith.constant 0 : index
    %get3A_8 = vector.load %arg1[%get3A_6, %get3A_7] : memref<2500x128xf32, #tpu.memory_space<vmem>>, vector<2500x128xf32>
    %reduce_sum3A_9 = vector.shape_cast %get3A_8 : vector<2500x128xf32> to vector<1x2500x128xf32>
    %reduce_sum3A_10 = arith.constant dense<0.000000e+00> : vector<1xf32>
    %reduce_sum3A_11 = vector.multi_reduction <add>, %reduce_sum3A_9, %reduce_sum3A_10 [1, 2] : vector<1x2500x128xf32> to vector<1xf32>
    %reduce_sum3A_12 = vector.shape_cast %reduce_sum3A_11 : vector<1xf32> to vector<1x1x1xf32>
    %reduce_sum3A_13 = vector.extract %reduce_sum3A_12[0, 0, 0] : f32 from vector<1x1x1xf32>
    %mul3A = arith.constant 2.000000e+00 : f32
    %mul3A_14 = arith.mulf %mul3A, %reduce_sum3A_13 : f32
    %sub3A = arith.subf %reduce_sum3A_5, %mul3A_14 : f32
    %div3A = arith.constant 3.200000e+05 : f32
    %div3A_15 = arith.divf %sub3A, %div3A : f32
    %swap3A = arith.constant 0 : index
    %swap3A_16 = arith.constant 0 : index
    %swap3A_17 = memref.load %arg2[%swap3A, %swap3A_16] : memref<1x1xf32, #tpu.memory_space<smem>>
    memref.store %div3A_15, %arg2[%swap3A, %swap3A_16] : memref<1x1xf32, #tpu.memory_space<smem>>
    return
  }
}

</mosaic_0001>

<sc_bundles>
// kernel: kernel.5.cloned.1.call-start
scs
__scs_entry_jumppad:
0x0: {  	(pc) =	sbr.rel $0x88, $3  }
0x1: {  	(tag) =	ssettag $0x0;
	lr =	simm.s32 $0x1  }
0x2: {  	[smem:$0x3F9F] =	sst lr;
	_ =	strace $0xD0000000  }
0x3: {  	_ = 	snop  }
0x4: {  	_ = 	snop  }
0x5: {  	_ = 	snop  }
0x6: {  	_ = 	snop  }
0x7: {  	_ = 	snop  }
__scs_overlays_trampoline_lowered:
0x8: {  	[smem:$0x3FAE] =	sst s0  }
0x9: {  	[smem:$0x3FAF] =	sst s1  }
0xa: {  	[smem:$0x3FB0] =	sst s2  }
0xb: {  	[smem:$0x3FB1] =	sst s3  }
0xc: {  	[smem:$0x3FB2] =	sst s4  }
0xd: {  	[smem:$0x3FB3] =	sst s5  }
0xe: {  	[smem:$0x3FB4] =	sst s6  }
0xf: {  	[smem:$0x3FB5] =	sst s7  }
0x10: {  	[smem:$0x3FB6] =	sst s8  }
0x11: {  	[smem:$0x3FB7] =	sst s9;
	s0 =	simm.s32 @!p0 $0x0  }
0x12: {  	s1 =	sld [smem:$0x3F9D];
	s0 =	simm.s32 @p0 $0x1  }
0x13: {  	[smem:$0x3FB8] =	sst s0;
	s0 =	simm.s32 @!p1 $0x0  }
0x14: {  	s2 =	sld [smem:$0x3F9C];
	s0 =	simm.s32 @p1 $0x1  }
0x15: {  	[smem:$0x3FB9] =	sst s0;
	s0 =	simm.s32 @!p2 $0x0  }
0x16: {  	s3 =	sld [smem:$0x3FDB];
	s0 =	simm.s32 @p2 $0x1  }
0x17: {  	s4 =	simm.s32 $0x1BF5;
	[smem:$0x3FBB] =	sst s0  }
0x18: {  	s0 =	sld [smem:$0x3F9E];
	_ =	swait.ge [sflag:s4], $0x0  }
0x19: {  	s7 =	sld [smem:$0x3F9F]  }
0x1a: {  	s8 =	sadd.s32 $0xFFFFE003, lr  }
0x1b: {  	s9 =	sadd.s32 $0xFFFFFEF7, lr;
	s5 =	simm.s32 $0xFFFFFFFF;
	p2 =	slt.u32 s8, $0xFFFFF086  }
0x1c: {  	p1 =	slt.u32 s9, $0xF7A;
	s5 =	simm.s32 @!p2 $0x0  }
0x1d: {  	s5 =	simm.s32 @p1 $0x1;
	p0 =	seq.s32 s7, s2  }
0x1e: {  	s7 =	smul.u32 @!p0 $0xF7A, s2;
	p2 =	seq.s32 @!p0 s5, $0x0  }
0x1f: {  	s9 =	smul.u32 $0xF7A, s1;
	s8 =	simm.s32 @!p0 $0x1BF5;
	p2 =	por !p2, p0  }
0x20: {  	[sflag:s8] =	ssyncset.s32 @!p0 $0xFFFFF086;
	s6 =	sadd.s32 @!p0 s3, s7;
	s7 =	simm.s32 @!p0 $0x108  }
0x21: {  	s3 =	sadd.s32 s3, s9;
	s6 =	sadd.s32 @!p0 $0x88, s6;
	s7 =	simm.s32 @p2 $0x1082  }
0x22: {  	[simem:s7], [sflag:s8] =	dma.local @!p0 [hbm:s6], $0xF7A  }
0x23: {  	s9 =	sor.u32 $0xD0000000, s2;
	s6 =	simm.s32 $0x108;
	_ =	swait.ge @!p0 [sflag:s8], $0x0  }
0x24: {  	s3 =	sadd.s32 $0x88, s3;
	s6 =	simm.s32 @!p1 $0x1082;
	[sflag:s4] =	ssyncset.s32 $0xFFFFF086  }
0x25: {  	[simem:s6], [sflag:s4] =	dma.local [hbm:s3], $0xF7A  }
0x26: {  	[smem:$0x3F9F] =	sst s1;
	(tag) =	ssettag s2;
	_ =	strace s9  }
0x27: {  	s1 =	sld [smem:$0x3FAF]  }
0x28: {  	s2 =	sld [smem:$0x3FB0]  }
0x29: {  	s4 =	sld [smem:$0x3FB2]  }
0x2a: {  	p0 =	seq.s32 s5, $0x0;
	s5 =	sld [smem:$0x3FB3]  }
0x2b: {  	s6 =	sld [smem:$0x3FB4]  }
0x2c: {  	s7 =	sld [smem:$0x3FB5]  }
0x2d: {  	s3 =	simm.s32 $0x108;
	s8 =	sld [smem:$0x3FB6]  }
0x2e: {  	s3 =	simm.s32 @!p0 $0x1082;
	s9 =	sld [smem:$0x3FB7]  }
0x2f: {  	lr =	sadd.s32 s0, s3;
	s0 =	sld [smem:$0x3FAE]  }
0x30: {  	s3 =	sld [smem:$0x3FB1]  }
0x31: {  	[smem:$0x3FBA] =	sst s10  }
0x32: {  	s10 =	sld [smem:$0x3FB8];
	_ =	sdelay $0x3  }
0x33: {  	p0 =	seq.s32 s10, $0x1;
	s10 =	sld [smem:$0x3FBA];
	_ =	sdelay $0x3  }
0x34: {  	[smem:$0x3FBA] =	sst s10  }
0x35: {  	s10 =	sld [smem:$0x3FB9];
	_ =	sdelay $0x3  }
0x36: {  	p1 =	seq.s32 s10, $0x1;
	s10 =	sld [smem:$0x3FBA];
	_ =	sdelay $0x3  }
0x37: {  	[smem:$0x3FBA] =	sst s10  }
0x38: {  	s10 =	sld [smem:$0x3FBB]  }
0x39: {  	_ = 	snop;
	(pc) =	sbr.ind lr, $3  }
0x3a: {  	_ = 	snop  }
0x3b: {  	_ = 	snop  }
0x3c: {  	p2 =	seq.s32 s10, $0x1;
	s10 =	sld [smem:$0x3FBA]  }
0x3d: {  	_ =	shalt  }
0x3e: {  	_ =	shalt  }
0x3f: {  	_ =	shalt  }
0x40: {  	_ =	shalt  }
0x41: {  	_ =	shalt  }
0x42: {  	_ =	shalt  }
0x43: {  	_ =	shalt  }
0x44: {  	_ =	shalt  }
0x45: {  	_ =	shalt  }
0x46: {  	_ =	shalt  }
0x47: {  	_ =	shalt  }
0x48: {  	_ =	shalt  }
0x49: {  	_ =	shalt  }
0x4a: {  	_ =	shalt  }
0x4b: {  	_ =	shalt  }
0x4c: {  	_ =	shalt  }
0x4d: {  	_ =	shalt  }
0x4e: {  	_ =	shalt  }
0x4f: {  	_ =	shalt  }
0x50: {  	_ =	shalt  }
0x51: {  	_ =	shalt  }
0x52: {  	_ =	shalt  }
0x53: {  	_ =	shalt  }
0x54: {  	_ =	shalt  }
0x55: {  	_ =	shalt  }
0x56: {  	_ =	shalt  }
0x57: {  	_ =	shalt  }
0x58: {  	_ =	shalt  }
0x59: {  	_ =	shalt  }
0x5a: {  	_ =	shalt  }
0x5b: {  	_ =	shalt  }
0x5c: {  	_ =	shalt  }
0x5d: {  	_ =	shalt  }
0x5e: {  	_ =	shalt  }
0x5f: {  	_ =	shalt  }
0x60: {  	_ =	shalt  }
0x61: {  	_ =	shalt  }
0x62: {  	_ =	shalt  }
0x63: {  	_ =	shalt  }
0x64: {  	_ =	shalt  }
0x65: {  	_ =	shalt  }
0x66: {  	_ =	shalt  }
0x67: {  	_ =	shalt  }
0x68: {  	_ =	shalt  }
0x69: {  	_ =	shalt  }
0x6a: {  	_ =	shalt  }
0x6b: {  	_ =	shalt  }
0x6c: {  	_ =	shalt  }
0x6d: {  	_ =	shalt  }
0x6e: {  	_ =	shalt  }
0x6f: {  	_ =	shalt  }
0x70: {  	_ =	shalt  }
0x71: {  	_ =	shalt  }
0x72: {  	_ =	shalt  }
0x73: {  	_ =	shalt  }
0x74: {  	_ =	shalt  }
0x75: {  	_ =	shalt  }
0x76: {  	_ =	shalt  }
0x77: {  	_ =	shalt  }
0x78: {  	_ =	shalt  }
0x79: {  	_ =	shalt  }
0x7a: {  	_ =	shalt  }
0x7b: {  	_ =	shalt  }
0x7c: {  	_ =	shalt  }
0x7d: {  	_ =	shalt  }
0x7e: {  	_ =	shalt  }
0x7f: {  	_ =	shalt  }
0x80: {  	_ =	shalt  }
0x81: {  	_ =	shalt  }
0x82: {  	_ =	shalt  }
0x83: {  	_ =	shalt  }
0x84: {  	_ =	shalt  }
0x85: {  	_ =	shalt  }
0x86: {  	_ =	shalt  }
0x87: {  	_ =	shalt  }
.Lfunc_end0:
.L_simem_size_0:
called_computation_lowered:
.L_overlay_start_0:
0x88: {  	s2 =	sld [smem:$0x3FD9]  }
0x89: {  	s3 =	sld [smem:$0x3FFE];
	_ =	sdelay $0x1  }
0x8a: {  	s1 =	srdreg.scid  }
0x8b: {  	s0 =	sand.u32 $0x1, s1  }
0x8c: {  	s16 =	sshll.u32 s0, $0xA;
	s2 =	sadd.s32 s3, s2  }
0x8d: {  	s2 =	sadd.s32 s2, s16  }
0x8e: {  	[smem:$0x3FC6] =	sst s2  }
0x8f: {  	_ = 	snop  }
0x90: {  	(tm) =	ssettm $0x1  }
0x91: {  	s17 =	sld [smem:$0x3FFB];
	_ =	sdelay $0x3  }
0x92: {  	_ =	strace s17  }
0x93: {  	s2 =	sld [smem:$0x3FFC];
	_ =	sdelay $0x3  }
0x94: {  	_ =	strace s2  }
0x95: {  	s2 =	sld [smem:$0x3FFD];
	_ =	sdelay $0x3  }
0x96: {  	_ =	strace s2  }
0x97: {  	_ =	strace $0x8FFFFFFF  }
0x98: {  	s18 =	sld [smem:$0x3FDB];
	_ =	sdelay $0x1  }
0x99: {  	s19 =	simm.s32 $_scs_section_size  }
0x9a: {  	s4 =	simm.s32 $_size__tile_overlayer_lowered;
	s5 =	simm.s32 $_tile_overlayer_lowered  }
0x9b: {  	s22 =	simm.s32 $0x1BFF;
	s21 =	sshll.u32 s5, $0x1;
	s2 =	sadd.s32 s19, s18  }
0x9c: {  	s6 =	simm.s32 $0x0;
	s20 =	sshll.u32 s4, $0x1;
	s4 =	sadd.s32 s21, s2  }
0x9d: {  	[timem:s6], [sflag:s22] =	dma.local [hbm:s4], s20  }
0x9e: {  	_ =	swait.ge [sflag:s22], s20  }
0x9f: {  	s3 =	ssub.s32 $0x0, s20;
	[sflag:s22] =	ssyncset.done $0x0  }
0xa0: {  	[sflag:s22] =	ssyncadd.s32 s3;
	_ =	sdelay $0x1  }
0xa1: {  	s23 =	simm.s32 $0x1B8B  }
0xa2: {  	_ =	swait.ge [sflag:s23], $0x1  }
0xa3: {  	[sflag:s23] =	ssyncset.done $0x0  }
0xa4: {  	s25 =	simm.s32 $0x1B8E;
	s24 =	sld [smem:$0x3FFE];
	[sflag:s23] =	ssyncadd.s32 $0xFFFFFFFF  }
0xa5: {  	s26 =	simm.s32 $execute0_lowered;
	[smem:$0x3FD2] =	sst s25  }
0xa6: {  	s4 =	sshll.u32 s26, $0x1;
	_ =	strace $0x80000046;
	[dreg:$0x1] =	wrdreg $0xFFFFFFFF  }
0xa7: {  	s28 =	simm.s32 $_size_execute0_lowered;
	s2 =	sadd.s32 s2, s4;
	[dreg:$0x0] =	wrdreg $0x0  }
0xa8: {  	s4 =	sshll.u32 s28, $0x1;
	[dreg:$0x2] =	wrdreg s2  }
0xa9: {  	[dreg:$0x3] =	wrdreg s4  }
0xaa: {  	[dreg:$0x4] =	wrdreg $0xC0  }
0xab: {  	_ =	task [dreg:s6], $0x5FFFF  }
0xac: {  	[dreg:$0x1] =	wrdreg $0xFFFFFFFF  }
0xad: {  	[dreg:$0x0] =	wrdreg $0x60  }
0xae: {  	[dreg:$0x2] =	wrdreg s24  }
0xaf: {  	[dreg:$0x3] =	wrdreg $0xE0600  }
0xb0: {  	[dreg:$0x4] =	wrdreg $0x9  }
0xb1: {  	_ =	task.clear_ibuf [dreg:s6], $0x5FFFF;
	_ =	strace $0x90000046  }
0xb2: {  	s29 =	simm.s32 $0x9;
	_ =	strace $0x80000048  }
0xb3: {  	_ =	swait.ge [sflag:s29], $0x1  }
0xb4: {  	[sflag:s29] =	ssyncadd.s32 $0xFFFFFFFF  }
0xb5: {  	_ =	strace $0x90000048  }
0xb6: {  	_ =	sfence  }
0xb7: {  	s30 =	sld [smem:$0x0];
	_ =	sdelay $0x2  }
0xb8: {  	s31 =	sshll.u32 s1, $0xD;
	s1 =	sshrl.u32 s1, $0x2  }
0xb9: {  	s3 =	sand.u32 $0x4000, s31;
	s1 =	sadd.s32 s1, s30  }
0xba: {  	s0 =	sor.u32 s3, s0;
	s1 =	sshll.u32 s1, $0x11  }
0xbb: {  	s0 =	sor.u32 s1, s0  }
0xbc: {  	s0 =	sadd.s32 $0x8F2B, s0  }
0xbd: {  	[sflag:s0] =	ssyncadd.remote.s32 $0x1  }
0xbe: {  	_ =	sfence.sel $0xFFFF  }
0xbf: {  	[dreg:$0x0] =	wrdreg $0xFFFFFFFF;
	(pc) =	sbr.abs _section_cstart, $3  }
0xc0: {  	[dreg:$0x1] =	wrdreg $0xFFFFFFFF  }
0xc1: {  	_ =	task.clear_ibuf [dreg:s6], $0x2FFFF;
	_ =	strace $0x9FFFFFFF  }
0xc2: {  	(tm) =	ssettm $0x7FFFFFFF  }
0xc3: {  	_ =	shalt  }
tec
execute0_lowered:
.L_overlay_start_1:
0x0: {  	(tag) =	ssettag $0x1  }
0x1: {  	s0 =	rddreg [dreg:$0x0]  }
0x2: {  	s2 =	rddreg [dreg:$0x1]  }
0x3: {  	s10 =	stileid.u32;
	s1 =	srdreg.scid  }
0x4: {  	s3 =	simm.s32 $0x0;
	s17 =	simm.s32 $0x7;
	s30 =	simm.s32 $0x4  }
0x5: {  	s31 =	simm.s32 $0x3;
	s28 =	simm.s32 $0x8240;
	s29 =	simm.s32 $0x5  }
0x6: {  	s16 =	simm.s32 $0x0;
	s1 =	sand.u32 $0x1, s1;
	s4 =	sshll.u32 s10, $0x1  }
0x7: {  	[smem:$0x7FF] =	sst s3;
	s5 =	smul.u32 $0x9C40, s10;
	s10 =	sshll.u32 s10, $0x6  }
0x8: {  	s4 =	sor.u32 s1, s4;
	_ =	strace $0x80000047;
	s1 =	ssub.s32 $0x2, s1  }
0x9: {  	s21 =	sor.u32 $0x1C07, s10;
	s6 =	smul.u32 $0x4E2, s4;
	s7 =	sshrl.u32 s5, $0x3  }
0xa: {  	s8 =	smul.u32 $0x1D4C0, s4;
	s4 =	sadd.s32 $0x4E3A00, s0;
	s9 =	sshrl.u32 s1, $0x1  }
0xb: {  	s19 =	sadd.s32 s5, s2;
	[dreg:$0x4] =	wrdreg s21;
	s21 =	simm.s32 $0x80  }
0xc: {  	s7 =	sadd.s32 s7, s0;
	s1 =	ssub.s32 s1, s9;
	s26 =	sshrl.u32 s19, $0x3  }
0xd: {  	s19 =	simm.s32 $0x180;
	s0 =	sadd.s32 s6, s0;
	s18 =	sshrl.u32 s8, $0x3  }
0xe: {  	s20 =	sadd.s32 $0x1A00, s7;
	s10 =	sadd.s32 $0x240, s8;
	s11 =	sadd.s32 $0x300, s8  }
0xf: {  	s12 =	sadd.s32 $0x3C0, s8;
	s25 =	smax.u32 s1, $0x1;
	[dreg:$0xa] =	wrdreg s26  }
0x10: {  	v1 =	vlaneseq.u32;
	s26 =	simm.s32 $0x3240;
	s1 =	simm.s32 $0x200;
	s6 =	simm.s32 $0x0  }
0x11: {  	v0 =	vmul.u32 $0x300, v1;
	s5 =	sadd.s32 s4, s18;
	[dreg:$0x3] =	wrdreg s20;
	s24 =	sadd.s32 $0x15400, s0  }
0x12: {  	s0 =	sadd.s32 $0x1F200, s0;
	[dreg:$0x9] =	wrdreg s25;
	s20 =	simm.s32 $0x1  }
0x13: {  	v1 =	vmul.u32 $0x4, v1;
	v2 =	vor.u32 $0x40, v0;
	v3 =	vor.u32 $0x80, v0;
	s25 =	simm.s32 $0x2;
	s18 =	simm.s32 $0x6;
	[dreg:$0x7] =	wrdreg s24  }
0x14: {  	v4 =	vor.u32 $0xC0, v0;
	v5 =	vadd.s32 $0x100, v0;
	v6 =	vadd.s32 $0x140, v0;
	s22 =	sadd.s32 $0x18, s5;
	s23 =	sadd.s32 $0x30, s5;
	[dreg:$0x8] =	wrdreg s0  }
0x15: {  	v7 =	vadd.s32 $0x180, v0;
	v8 =	vadd.s32 $0x1C0, v0;
	v9 =	vadd.s32 $0x200, v0;
	s24 =	simm.s32 $0x2240;
	s0 =	simm.s32 $0x6240;
	[dreg:$0x5] =	wrdreg s22  }
0x16: {  	v10 =	vadd.s32 $0x240, v0;
	v11 =	vadd.s32 $0x280, v0;
	v12 =	vadd.s32 $0x2C0, v0;
	[dreg:$0x6] =	wrdreg s23;
	s22 =	simm.s32 $0x240;
	s23 =	simm.s32 $0x40  }
.LBB2_1:
0x17: {  	s7 =	rddreg [dreg:$0x3]  }
0x18: {  	s8 =	rddreg [dreg:$0x4]  }
0x19: {  	s9 =	rddreg [dreg:$0xa]  }
0x1a: {  	[spmem:s9], [sflag:s8] =	dma.local [hbm:s7], $0x1388  }
0x1b: {  	_ =	swait.ge [sflag:s17], $0x1388  }
0x1c: {  	[sflag:s17] =	ssyncset.done $0x0  }
0x1d: {  	[sflag:s17] =	ssyncadd.s32 $0xFFFFEC78  }
0x1e: {  	[bflag:$0x0] =	sbarrier.arrive $0xFFFF  }
0x1f: {  	[tilespmem:s3], [sflag:$0x1] =	stream.linear.gather [hbm4b:s5+s3], $0xC0, $0x38;
	[tilespmem:$0x17CA0] =	vst v63  }
0x20: {  	s9 =	simm.s32 $0xC0;
	s8 =	rddreg [dreg:$0x5]  }
0x21: {  	[tilespmem:s9], [sflag:$0x2] =	stream.linear.gather [hbm4b:s8+s3], $0xC0, $0x38;
	[tilespmem:$0x17CA0] =	vst v63  }
0x22: {  	s13 =	rddreg [dreg:$0x6]  }
0x23: {  	[tilespmem:s19], [sflag:$0x3] =	stream.linear.gather [hbm4b:s13+s3], $0xC0, $0x38;
	[tilespmem:$0x17CA0] =	vst v63  }
0x24: {  	_ =	swait.ge [sflag:s20], $0xC0  }
0x25: {  	[sflag:s20] =	ssyncset.done $0x0  }
0x26: {  	[sflag:s20] =	ssyncadd.s32 $0xFFFFFF40  }
0x27: {  	[tilespmem:s22], [sflag:$0x4] =	stream.indirect.gather [spmem:s2], $0x40, s3, s21, $0xb8;
	[tilespmem:$0x17CA0] =	vst v63  }
0x28: {  	_ = 	snop  }
0x29: {  	[tilespmem:s24], [sflag:$0x4] =	stream.indirect.gather [spmem:s2], $0x40, s21, s23, $0xb8;
	[tilespmem:$0x17CA0] =	vst v63  }
0x2a: {  	_ =	swait.ge [sflag:s25], $0xC0  }
0x2b: {  	[sflag:s25] =	ssyncset.done $0x0  }
0x2c: {  	[sflag:s25] =	ssyncadd.s32 $0xFFFFFF40  }
0x2d: {  	[tilespmem:s26], [sflag:$0x5] =	stream.indirect.gather [spmem:s2], $0x40, s9, s21, $0xb8;
	[tilespmem:$0x17CA0] =	vst v63  }
0x2e: {  	s14 =	simm.s32 $0x140;
	s15 =	simm.s32 $0x5240;
	s7 =	simm.s32 $0x0  }
0x2f: {  	[tilespmem:s15], [sflag:$0x5] =	stream.indirect.gather [spmem:s2], $0x40, s14, s23, $0xb8;
	[tilespmem:$0x17CA0] =	vst v63  }
.LBB2_2:
0x30: {  	s9 =	smul.u32 $0x240, s7;
	_ =	sdelay $0x1  }
0x31: {  	_ =	swait.ge [sflag:s30], $0x3000;
	s8 =	sadd.s32 s9, s10  }
0x32: {  	[sflag:s30] =	ssyncset.done $0x0;
	s8 =	sshrl.u32 s8, $0x3  }
0x33: {  	s13 =	simm.s32 $0x0;
	[sflag:s30] =	ssyncadd.s32 $0xFFFFD000;
	s8 =	sadd.s32 s4, s8  }
0x34: {  	v13 =	vadd.s32 s13, v1;
	[tilespmem:s13], [sflag:$0x1] =	stream.linear.gather [hbm4b:s8+s13], $0xC0, $0x38;
	[tilespmem:$0x17CA0] =	vst v63  }
0x35: {  	v13 =	vand.u32 $0x3F, v13;
	_ =	swait.ge [sflag:s31], $0xC0  }
0x36: {  	v14 =	vor.u32 v0, v13;
	[sflag:s31] =	ssyncset.done $0x0  }
0x37: {  	v15 =	vor.u32 v12, v13;
	[sflag:s31] =	ssyncadd.s32 $0xFFFFFF40  }
0x38: {  	v16 =	vor.u32 v2, v13;
	[tilespmem:s0], [sflag:$0x6] =	stream.indirect.gather [spmem:s2], $0x40, s19, s21, $0xb8;
	[tilespmem:$0x17CA0] =	vst v63  }
0x39: {  	v17 =	vor.u32 v3, v13  }
0x3a: {  	v18 =	vor.u32 v4, v13;
	[tilespmem:s28], [sflag:$0x6] =	stream.indirect.gather [spmem:s2], $0x40, s1, s23, $0xb8;
	[tilespmem:$0x17CA0] =	vst v63  }
0x3b: {  	v20 =	vor.u32 v7, v13;
	v23 =	vld.idx.msk [tilespmem:v14+s22+$0x0], $0xffff  }
0x3c: {  	v21 =	vor.u32 v8, v13;
	v15 =	vld.idx.msk [tilespmem:v15+s22+$0x0], $0xffff  }
0x3d: {  	v22 =	vor.u32 v9, v13;
	v16 =	vld.idx.msk [tilespmem:v16+s22+$0x0], $0xffff  }
0x3e: {  	v24 =	vor.u32 v10, v13;
	v17 =	vld.idx.msk [tilespmem:v17+s22+$0x0], $0xffff  }
0x3f: {  	s14 =	simm.s32 $0x1;
	v14 =	vor.u32 v6, v13;
	v18 =	vld.idx.msk [tilespmem:v18+s22+$0x0], $0xffff  }
0x40: {  	v25 =	vadd.s32 s14, v1;
	v19 =	vor.u32 v5, v13;
	v20 =	vld.idx.msk [tilespmem:v20+s22+$0x0], $0xffff  }
0x41: {  	s15 =	simm.s32 $0x2;
	v25 =	vand.u32 $0x3F, v25;
	v30 =	vor.u32 v11, v13;
	v21 =	vld.idx.msk [tilespmem:v21+s22+$0x0], $0xffff  }
0x42: {  	v63 =	vadd.s32 s15, v1;
	v33 =	vor.u32 v2, v25;
	v35 =	vor.u32 v12, v25;
	v22 =	vld.idx.msk [tilespmem:v22+s22+$0x0], $0xffff  }
0x43: {  	v34 =	vor.u32 v3, v25;
	v36 =	vor.u32 v4, v25;
	v37 =	vor.u32 v5, v25;
	v24 =	vld.idx.msk [tilespmem:v24+s22+$0x0], $0xffff  }
0x44: {  	v38 =	vor.u32 v6, v25;
	v31 =	vor.u32 v7, v25;
	v32 =	vld.idx.msk [tilespmem:v14+s22+$0x0], $0xffff;
	v14 =	vor.u32 v0, v25  }
0x45: {  	v28 =	vor.u32 v8, v25;
	v27 =	vor.u32 v9, v25;
	v26 =	vor.u32 v10, v25;
	v29 =	vld.idx.msk [tilespmem:v19+s22+$0x0], $0xffff  }
0x46: {  	v13 =	vimm.bf16 $0.0e+00;
	v39 =	vld.idx.msk [tilespmem:v30+s22+$0x0], $0xffff;
	v15 =	vmul.bf16 v15, v23;
	v62 =	vmul.bf16 v20, v23  }
0x47: {  	v35 =	vld.idx.msk [tilespmem:v35+s22+$0x0], $0xffff;
	v25 =	vor.u32 v11, v25;
	v41 =	vmul.bf16 v21, v23;
	v42 =	vmul.bf16 v22, v23  }
0x48: {  	v30 =	vld.idx.msk [tilespmem:v34+s22+$0x0], $0xffff;
	v24 =	vmul.bf16 v24, v23;
	v19 =	vadd.bf16 v15, v13;
	v15 =	vmul.bf16 v16, v23  }
0x49: {  	v16 =	vmul.bf16 v17, v23;
	v17 =	vmul.bf16 v18, v23;
	v21 =	vadd.bf16 v62, v13;
	v14 =	vld.idx.msk [tilespmem:v14+s22+$0x0], $0xffff  }
0x4a: {  	v34 =	vld.idx.msk [tilespmem:v38+s22+$0x0], $0xffff;
	v18 =	vmul.bf16 v29, v23;
	v22 =	vadd.bf16 v41, v13;
	v24 =	vadd.bf16 v24, v13  }
0x4b: {  	v29 =	vld.idx.msk [tilespmem:v33+s22+$0x0], $0xffff;
	v15 =	vadd.bf16 v15, v13;
	v16 =	vadd.bf16 v16, v13;
	v40 =	vmul.bf16 v32, v23  }
0x4c: {  	v33 =	vld.idx.msk [tilespmem:v37+s22+$0x0], $0xffff;
	v37 =	vand.u32 $0x3F, v63;
	v17 =	vadd.bf16 v17, v13;
	v18 =	vadd.bf16 v18, v13  }
0x4d: {  	s8 =	simm.s32 $0x3;
	v32 =	vld.idx.msk [tilespmem:v36+s22+$0x0], $0xffff;
	v36 =	vmul.bf16 v39, v23;
	v23 =	vadd.bf16 v42, v13;
	v20 =	vadd.bf16 v40, v13  }
.LBB2_3:
0x4e: {  	p0 =	sne.s32 s8, $0x3F;
	v38 =	vor.u32 v0, v37;
	v39 =	vor.u32 v2, v37;
	v40 =	vld.idx.msk [tilespmem:v31+s22+$0x0], $0xffff;
	v31 =	vmul.bf16 v35, v14  }
0x4f: {  	v41 =	vor.u32 v3, v37;
	v42 =	vor.u32 v4, v37;
	v35 =	vor.u32 v12, v37;
	v43 =	vld.idx.msk [tilespmem:v28+s22+$0x0], $0xffff  }
0x50: {  	v44 =	vor.u32 v5, v37;
	v45 =	vor.u32 v6, v37;
	v46 =	vld.idx.msk [tilespmem:v27+s22+$0x0], $0xffff;
	v19 =	vadd.bf16 v31, v19  }
0x51: {  	v28 =	vor.u32 v8, v37;
	v31 =	vor.u32 v7, v37;
	v27 =	vor.u32 v9, v37;
	v47 =	vld.idx.msk [tilespmem:v26+s22+$0x0], $0xffff  }
0x52: {  	v29 =	vmul.bf16 v29, v14;
	v26 =	vor.u32 v10, v37;
	v48 =	vld.idx.msk [tilespmem:v25+s22+$0x0], $0xffff;
	v25 =	vor.u32 v11, v37  }
0x53: {  	v13 =	vadd.bf16 v36, v13;
	v30 =	vmul.bf16 v30, v14;
	v32 =	vmul.bf16 v32, v14;
	v38 =	vld.idx.msk [tilespmem:v38+s22+$0x0], $0xffff  }
0x54: {  	v15 =	vadd.bf16 v29, v15;
	v33 =	vmul.bf16 v33, v14;
	v34 =	vmul.bf16 v34, v14;
	v35 =	vld.idx.msk [tilespmem:v35+s22+$0x0], $0xffff  }
.Ltmp0:
0x55: {  	v16 =	vadd.bf16 v30, v16;
	v36 =	vmul.bf16 v40, v14;
	v37 =	vmul.bf16 v43, v14;
	v29 =	vld.idx.msk [tilespmem:v39+s22+$0x0], $0xffff;
	(pc) =	sbr.rel @p0 .LBB2_3-.Ltmp0, $4  }
0x56: {  	v17 =	vadd.bf16 v32, v17;
	v18 =	vadd.bf16 v33, v18;
	v39 =	vmul.bf16 v46, v14;
	v30 =	vld.idx.msk [tilespmem:v41+s22+$0x0], $0xffff  }
0x57: {  	v20 =	vadd.bf16 v34, v20;
	v21 =	vadd.bf16 v36, v21;
	v40 =	vmul.bf16 v47, v14;
	v32 =	vld.idx.msk [tilespmem:v42+s22+$0x0], $0xffff  }
0x58: {  	v34 =	vadd.s32 s8, v1;
	v22 =	vadd.bf16 v37, v22;
	v36 =	vmul.bf16 v48, v14;
	v33 =	vld.idx.msk [tilespmem:v44+s22+$0x0], $0xffff  }
0x59: {  	s8 =	sadd.s32 $0x1, s8;
	v37 =	vand.u32 $0x3F, v34;
	v23 =	vadd.bf16 v39, v23;
	v24 =	vadd.bf16 v40, v24;
	v14 =	vmovc v38;
	v34 =	vld.idx.msk [tilespmem:v45+s22+$0x0], $0xffff  }
0x5a: {  	_ =	sdelay $0x3  }
0x5b: {  	v38 =	vor.u32 v0, v37;
	v31 =	vld.idx.msk [tilespmem:v31+s22+$0x0], $0xffff  }
0x5c: {  	v39 =	vor.u32 v12, v37;
	v28 =	vld.idx.msk [tilespmem:v28+s22+$0x0], $0xffff  }
0x5d: {  	v40 =	vor.u32 v2, v37;
	v27 =	vld.idx.msk [tilespmem:v27+s22+$0x0], $0xffff  }
0x5e: {  	v41 =	vor.u32 v3, v37;
	v26 =	vld.idx.msk [tilespmem:v26+s22+$0x0], $0xffff  }
0x5f: {  	v42 =	vor.u32 v4, v37;
	v25 =	vld.idx.msk [tilespmem:v25+s22+$0x0], $0xffff  }
0x60: {  	v43 =	vor.u32 v5, v37;
	v38 =	vld.idx.msk [tilespmem:v38+s22+$0x0], $0xffff  }
0x61: {  	v35 =	vmul.bf16 v35, v14;
	v44 =	vor.u32 v6, v37;
	v61 =	vor.u32 v7, v37;
	v60 =	vld.idx.msk [tilespmem:v39+s22+$0x0], $0xffff  }
0x62: {  	v45 =	vor.u32 v8, v37;
	v46 =	vor.u32 v9, v37;
	v47 =	vor.u32 v10, v37;
	v40 =	vld.idx.msk [tilespmem:v40+s22+$0x0], $0xffff  }
0x63: {  	v62 =	vor.u32 v11, v37;
	v29 =	vmul.bf16 v29, v14;
	v30 =	vmul.bf16 v30, v14;
	v41 =	vld.idx.msk [tilespmem:v41+s22+$0x0], $0xffff  }
0x64: {  	v13 =	vadd.bf16 v36, v13;
	v19 =	vadd.bf16 v35, v19;
	v32 =	vmul.bf16 v32, v14;
	v63 =	vld.idx.msk [tilespmem:v42+s22+$0x0], $0xffff  }
0x65: {  	v15 =	vadd.bf16 v29, v15;
	v29 =	vmul.bf16 v33, v14;
	v16 =	vadd.bf16 v30, v16;
	v48 =	vld.idx.msk [tilespmem:v43+s22+$0x0], $0xffff  }
0x66: {  	v17 =	vadd.bf16 v32, v17;
	v42 =	vmul.bf16 v34, v14;
	v30 =	vmul.bf16 v31, v14;
	v31 =	vld.idx.msk [tilespmem:v44+s22+$0x0], $0xffff  }
0x67: {  	v28 =	vmul.bf16 v28, v14;
	v18 =	vadd.bf16 v29, v18;
	v29 =	vld.idx.msk [tilespmem:v61+s22+$0x0], $0xffff;
	v26 =	vmul.bf16 v26, v14  }
0x68: {  	v27 =	vmul.bf16 v27, v14;
	v20 =	vadd.bf16 v42, v20;
	v21 =	vadd.bf16 v30, v21;
	v30 =	vld.idx.msk [tilespmem:v45+s22+$0x0], $0xffff  }
0x69: {  	v14 =	vmul.bf16 v25, v14;
	v22 =	vadd.bf16 v28, v22;
	v24 =	vadd.bf16 v26, v24;
	v26 =	vld.idx.msk [tilespmem:v47+s22+$0x0], $0xffff  }
0x6a: {  	v28 =	vld.idx.msk [tilespmem:v46+s22+$0x0], $0xffff;
	v23 =	vadd.bf16 v27, v23;
	v25 =	vmul.bf16 v60, v38;
	v27 =	vmul.bf16 v40, v38  }
0x6b: {  	v13 =	vadd.bf16 v14, v13;
	v49 =	vmul.bf16 v41, v38;
	v50 =	vmul.bf16 v63, v38  }
0x6c: {  	v29 =	vmul.bf16 v29, v38;
	v19 =	vadd.bf16 v25, v19;
	v14 =	vadd.bf16 v27, v15  }
0x6d: {  	v25 =	vld.idx.msk [tilespmem:v62+s22+$0x0], $0xffff;
	v15 =	vmul.bf16 v48, v38;
	v27 =	vmul.bf16 v31, v38;
	v16 =	vadd.bf16 v49, v16  }
0x6e: {  	v30 =	vmul.bf16 v30, v38;
	v17 =	vadd.bf16 v50, v17;
	v26 =	vmul.bf16 v26, v38  }
0x6f: {  	v21 =	vadd.bf16 v29, v21;
	v15 =	vadd.bf16 v15, v18;
	v18 =	vmul.bf16 v28, v38  }
0x70: {  	v20 =	vadd.bf16 v27, v20;
	v22 =	vadd.bf16 v30, v22  }
0x71: {  	v18 =	vadd.bf16 v18, v23;
	v23 =	vadd.bf16 v26, v24  }
0x72: {  	v24 =	vunpack.i.u.bf16.f32 v14;
	v14 =	vunpack.i.l.bf16.f32 v14;
	v25 =	vmul.bf16 v25, v38  }
0x73: {  	v14 =	vadd.f32 v14, v24;
	v24 =	vunpack.i.u.bf16.f32 v16;
	v16 =	vunpack.i.l.bf16.f32 v16  }
0x74: {  	v16 =	vadd.f32 v16, v24;
	v24 =	vunpack.i.u.bf16.f32 v17;
	v17 =	vunpack.i.l.bf16.f32 v17  }
0x75: {  	v26 =	vunpack.i.u.bf16.f32 v21;
	v17 =	vadd.f32 v17, v24;
	v24 =	vadd.f32 v14, v14  }
0x76: {  	v21 =	vunpack.i.l.bf16.f32 v21;
	v13 =	vadd.bf16 v25, v13;
	v16 =	vadd.f32 v16, v16  }
0x77: {  	v25 =	vunpack.i.u.bf16.f32 v15;
	v15 =	vunpack.i.l.bf16.f32 v15;
	v24 =	vmul.f32 $1.442695020e+00, v24  }
0x78: {  	v15 =	vadd.f32 v15, v25;
	v17 =	vadd.f32 v17, v17;
	v16 =	vmul.f32 $1.442695020e+00, v16  }
0x79: {  	v25 =	vunpack.i.u.bf16.f32 v20;
	v20 =	vunpack.i.l.bf16.f32 v20;
	(erf) = vpow2.f32 v24  }
0x7a: {  	v15 =	vadd.f32 v15, v15;
	(erf) = vpow2.f32 v16;
	v16 =	vmul.f32 $1.442695020e+00, v17  }
0x7b: {  	v17 =	vadd.f32 v20, v25;
	v20 =	vadd.f32 v21, v26;
	v21 =	vunpack.i.u.bf16.f32 v22  }
0x7c: {  	v22 =	vunpack.i.l.bf16.f32 v22;
	v15 =	vmul.f32 $1.442695020e+00, v15;
	(erf) = vpow2.f32 v16  }
0x7d: {  	v16 =	vunpack.i.u.bf16.f32 v18;
	v18 =	vunpack.i.l.bf16.f32 v18;
	v17 =	vadd.f32 v17, v17  }
0x7e: {  	v21 =	vadd.f32 v22, v21;
	v16 =	vadd.f32 v18, v16  }
0x7f: {  	(erf) = vpow2.f32 v15;
	v18 =	vadd.f32 v20, v20;
	v17 =	vmul.f32 $1.442695020e+00, v17  }
0x80: {  	v22 =	vunpack.i.u.bf16.f32 v13;
	v15 =	vunpack.i.u.bf16.f32 v23;
	v20 =	vunpack.i.l.bf16.f32 v23  }
0x81: {  	v15 =	vadd.f32 v20, v15;
	(erf) = vpow2.f32 v17;
	v17 =	vmul.f32 $1.442695020e+00, v18  }
0x82: {  	v13 =	vunpack.i.l.bf16.f32 v13;
	v16 =	vadd.f32 v16, v16;
	v18 =	vadd.f32 v21, v21  }
0x83: {  	v13 =	vadd.f32 v13, v22;
	v20 =	vpop (erf);
	(erf) = vpow2.f32 v17  }
0x84: {  	v15 =	vadd.f32 v15, v15;
	v16 =	vmul.f32 $1.442695020e+00, v16;
	v17 =	vmul.f32 $1.442695020e+00, v18;
	v21 =	vpop (erf)  }
0x85: {  	v18 =	vunpack.i.u.bf16.f32 v19;
	v19 =	vunpack.i.l.bf16.f32 v19;
	v20 =	vadd.f32 v21, v20  }
0x86: {  	v15 =	vmul.f32 $1.442695020e+00, v15;
	(erf) = vpow2.f32 v17;
	v17 =	vadd.f32 v19, v18;
	v21 =	vpop (erf)  }
0x87: {  	v13 =	vadd.f32 v13, v13;
	(erf) = vpow2.f32 v16;
	v18 =	vadd.f32 v21, v20  }
0x88: {  	v19 =	vpop (erf);
	(erf) = vpow2.f32 v15;
	v15 =	vadd.f32 v17, v17  }
0x89: {  	v13 =	vmul.f32 $1.442695020e+00, v13;
	v16 =	vadd.f32 v19, v18  }
0x8a: {  	v17 =	vpop (erf)  }
0x8b: {  	(erf) = vpow2.f32 v13;
	v13 =	vmul.f32 $1.442695020e+00, v15;
	v16 =	vadd.f32 v17, v16  }
0x8c: {  	v15 =	vpop (erf)  }
0x8d: {  	v15 =	vadd.f32 v15, v16  }
0x8e: {  	(erf) = vpow2.f32 v13  }
0x8f: {  	v13 =	vpop (erf)  }
0x90: {  	v13 =	vadd.f32 v13, v15  }
0x91: {  	v15 =	vpop (erf)  }
0x92: {  	v13 =	vadd.f32 v15, v13  }
0x93: {  	v15 =	vpop (erf)  }
0x94: {  	v13 =	vadd.f32 v15, v13  }
0x95: {  	v15 =	vpop (erf)  }
0x96: {  	v13 =	vadd.f32 v15, v13  }
0x97: {  	s8 =	smul.u32 $0x30, s7;
	v15 =	vpop (erf)  }
0x98: {  	v13 =	vadd.f32 v15, v13  }
0x99: {  	[tilespmem:s8+$0xB950] =	vst v14  }
0x9a: {  	p0 =	seq.s32 s7, $0xCF;
	[tilespmem:s8+$0x9240] =	vst v13  }
0x9b: {  	s13 =	sadd.s32 @!p0 s9, s11;
	_ =	swait.ge [sflag:s29], $0x3000  }
0x9c: {  	s14 =	simm.s32 @!p0 $0x0;
	s13 =	sshrl.u32 @!p0 s13, $0x3;
	[sflag:s29] =	ssyncset.done $0x0  }
0x9d: {  	s15 =	simm.s32 @!p0 $0xC0;
	s13 =	sadd.s32 @!p0 s4, s13;
	[sflag:s29] =	ssyncadd.s32 $0xFFFFD000  }
0x9e: {  	v13 =	vadd.s32 s16, v1;
	[tilespmem:s15], [sflag:$0x2] =	stream.linear.gather @!p0 [hbm4b:s13+s14], $0xC0, $0x38;
	[tilespmem:$0x17CA0] =	vst v63  }
0x9f: {  	v13 =	vand.u32 $0x3F, v13;
	_ =	swait.ge [sflag:s20], $0xC0  }
0xa0: {  	v14 =	vor.u32 v0, v13;
	[sflag:s20] =	ssyncset.done $0x0  }
0xa1: {  	v15 =	vor.u32 v12, v13;
	[sflag:s20] =	ssyncadd.s32 $0xFFFFFF40  }
0xa2: {  	v16 =	vor.u32 v2, v13;
	[tilespmem:s22], [sflag:$0x4] =	stream.indirect.gather [spmem:s2], $0x40, s16, s21, $0xb8;
	[tilespmem:$0x17CA0] =	vst v63  }
0xa3: {  	v17 =	vor.u32 v3, v13  }
0xa4: {  	v18 =	vor.u32 v4, v13;
	[tilespmem:s24], [sflag:$0x4] =	stream.indirect.gather [spmem:s2], $0x40, s21, s23, $0xb8;
	[tilespmem:$0x17CA0] =	vst v63  }
0xa5: {  	v20 =	vor.u32 v7, v13;
	v23 =	vld.idx.msk [tilespmem:v14+s26+$0x0], $0xffff  }
0xa6: {  	v21 =	vor.u32 v8, v13;
	v15 =	vld.idx.msk [tilespmem:v15+s26+$0x0], $0xffff  }
0xa7: {  	v22 =	vor.u32 v9, v13;
	v16 =	vld.idx.msk [tilespmem:v16+s26+$0x0], $0xffff  }
0xa8: {  	v24 =	vor.u32 v10, v13;
	v17 =	vld.idx.msk [tilespmem:v17+s26+$0x0], $0xffff  }
0xa9: {  	s14 =	simm.s32 $0x1;
	v14 =	vor.u32 v6, v13;
	v18 =	vld.idx.msk [tilespmem:v18+s26+$0x0], $0xffff  }
0xaa: {  	v19 =	vor.u32 v5, v13;
	s15 =	simm.s32 $0x2;
	v25 =	vadd.s32 s14, v1;
	v20 =	vld.idx.msk [tilespmem:v20+s26+$0x0], $0xffff  }
0xab: {  	v30 =	vor.u32 v11, v13;
	v63 =	vadd.s32 s15, v1;
	v25 =	vand.u32 $0x3F, v25;
	v21 =	vld.idx.msk [tilespmem:v21+s26+$0x0], $0xffff  }
0xac: {  	v37 =	vand.u32 $0x3F, v63;
	v54 =	vor.u32 v12, v25;
	v22 =	vld.idx.msk [tilespmem:v22+s26+$0x0], $0xffff  }
0xad: {  	v52 =	vor.u32 v2, v25;
	v53 =	vor.u32 v3, v25;
	v55 =	vor.u32 v4, v25;
	v24 =	vld.idx.msk [tilespmem:v24+s26+$0x0], $0xffff  }
0xae: {  	v56 =	vor.u32 v5, v25;
	v57 =	vor.u32 v6, v25;
	v51 =	vld.idx.msk [tilespmem:v14+s26+$0x0], $0xffff;
	v14 =	vor.u32 v0, v25  }
0xaf: {  	v31 =	vor.u32 v7, v25;
	v28 =	vor.u32 v8, v25;
	v27 =	vor.u32 v9, v25;
	v29 =	vld.idx.msk [tilespmem:v19+s26+$0x0], $0xffff  }
0xb0: {  	v26 =	vor.u32 v10, v25;
	v58 =	vld.idx.msk [tilespmem:v30+s26+$0x0], $0xffff;
	v15 =	vmul.bf16 v15, v23;
	v60 =	vmul.bf16 v20, v23  }
0xb1: {  	v13 =	vimm.bf16 $0.0e+00;
	v35 =	vld.idx.msk [tilespmem:v54+s26+$0x0], $0xffff;
	v61 =	vmul.bf16 v21, v23;
	v62 =	vmul.bf16 v22, v23  }
0xb2: {  	v30 =	vld.idx.msk [tilespmem:v53+s26+$0x0], $0xffff;
	v24 =	vmul.bf16 v24, v23;
	v19 =	vadd.bf16 v15, v13;
	v15 =	vmul.bf16 v16, v23  }
0xb3: {  	v16 =	vmul.bf16 v17, v23;
	v17 =	vmul.bf16 v18, v23;
	v21 =	vadd.bf16 v60, v13;
	v14 =	vld.idx.msk [tilespmem:v14+s26+$0x0], $0xffff  }
0xb4: {  	v32 =	vld.idx.msk [tilespmem:v55+s26+$0x0], $0xffff;
	v18 =	vmul.bf16 v29, v23;
	v22 =	vadd.bf16 v61, v13;
	v24 =	vadd.bf16 v24, v13  }
0xb5: {  	v33 =	vld.idx.msk [tilespmem:v56+s26+$0x0], $0xffff;
	v15 =	vadd.bf16 v15, v13;
	v16 =	vadd.bf16 v16, v13;
	v59 =	vmul.bf16 v51, v23  }
0xb6: {  	v34 =	vld.idx.msk [tilespmem:v57+s26+$0x0], $0xffff;
	v25 =	vor.u32 v11, v25;
	v17 =	vadd.bf16 v17, v13;
	v18 =	vadd.bf16 v18, v13  }
0xb7: {  	s13 =	simm.s32 $0x3;
	v36 =	vmul.bf16 v58, v23;
	v29 =	vld.idx.msk [tilespmem:v52+s26+$0x0], $0xffff;
	v23 =	vadd.bf16 v62, v13;
	v20 =	vadd.bf16 v59, v13  }
.LBB2_5:
0xb8: {  	p1 =	sne.s32 s13, $0x3F;
	v38 =	vor.u32 v0, v37;
	v39 =	vor.u32 v2, v37;
	v40 =	vld.idx.msk [tilespmem:v31+s26+$0x0], $0xffff;
	v31 =	vmul.bf16 v35, v14  }
0xb9: {  	v41 =	vor.u32 v3, v37;
	v42 =	vor.u32 v4, v37;
	v35 =	vor.u32 v12, v37;
	v43 =	vld.idx.msk [tilespmem:v28+s26+$0x0], $0xffff  }
0xba: {  	v44 =	vor.u32 v5, v37;
	v45 =	vor.u32 v6, v37;
	v46 =	vld.idx.msk [tilespmem:v27+s26+$0x0], $0xffff;
	v19 =	vadd.bf16 v31, v19  }
0xbb: {  	v28 =	vor.u32 v8, v37;
	v31 =	vor.u32 v7, v37;
	v27 =	vor.u32 v9, v37;
	v47 =	vld.idx.msk [tilespmem:v26+s26+$0x0], $0xffff  }
0xbc: {  	v29 =	vmul.bf16 v29, v14;
	v26 =	vor.u32 v10, v37;
	v48 =	vld.idx.msk [tilespmem:v25+s26+$0x0], $0xffff;
	v25 =	vor.u32 v11, v37  }
0xbd: {  	v13 =	vadd.bf16 v36, v13;
	v30 =	vmul.bf16 v30, v14;
	v32 =	vmul.bf16 v32, v14;
	v38 =	vld.idx.msk [tilespmem:v38+s26+$0x0], $0xffff  }
0xbe: {  	v15 =	vadd.bf16 v29, v15;
	v33 =	vmul.bf16 v33, v14;
	v34 =	vmul.bf16 v34, v14;
	v35 =	vld.idx.msk [tilespmem:v35+s26+$0x0], $0xffff  }
.Ltmp1:
0xbf: {  	v16 =	vadd.bf16 v30, v16;
	v36 =	vmul.bf16 v40, v14;
	v37 =	vmul.bf16 v43, v14;
	v29 =	vld.idx.msk [tilespmem:v39+s26+$0x0], $0xffff;
	(pc) =	sbr.rel @p1 .LBB2_5-.Ltmp1, $4  }
0xc0: {  	v17 =	vadd.bf16 v32, v17;
	v18 =	vadd.bf16 v33, v18;
	v39 =	vmul.bf16 v46, v14;
	v30 =	vld.idx.msk [tilespmem:v41+s26+$0x0], $0xffff  }
0xc1: {  	v20 =	vadd.bf16 v34, v20;
	v21 =	vadd.bf16 v36, v21;
	v40 =	vmul.bf16 v47, v14;
	v32 =	vld.idx.msk [tilespmem:v42+s26+$0x0], $0xffff  }
0xc2: {  	v34 =	vadd.s32 s13, v1;
	v22 =	vadd.bf16 v37, v22;
	v36 =	vmul.bf16 v48, v14;
	v33 =	vld.idx.msk [tilespmem:v44+s26+$0x0], $0xffff  }
0xc3: {  	s13 =	sadd.s32 $0x1, s13;
	v37 =	vand.u32 $0x3F, v34;
	v23 =	vadd.bf16 v39, v23;
	v24 =	vadd.bf16 v40, v24;
	v14 =	vmovc v38;
	v34 =	vld.idx.msk [tilespmem:v45+s26+$0x0], $0xffff  }
0xc4: {  	_ =	sdelay $0x3  }
0xc5: {  	v38 =	vor.u32 v0, v37;
	v31 =	vld.idx.msk [tilespmem:v31+s26+$0x0], $0xffff  }
0xc6: {  	v39 =	vor.u32 v12, v37;
	v28 =	vld.idx.msk [tilespmem:v28+s26+$0x0], $0xffff  }
0xc7: {  	v40 =	vor.u32 v2, v37;
	v27 =	vld.idx.msk [tilespmem:v27+s26+$0x0], $0xffff  }
0xc8: {  	v41 =	vor.u32 v3, v37;
	v26 =	vld.idx.msk [tilespmem:v26+s26+$0x0], $0xffff  }
0xc9: {  	v42 =	vor.u32 v4, v37;
	v25 =	vld.idx.msk [tilespmem:v25+s26+$0x0], $0xffff  }
0xca: {  	v43 =	vor.u32 v5, v37;
	v38 =	vld.idx.msk [tilespmem:v38+s26+$0x0], $0xffff  }
0xcb: {  	v35 =	vmul.bf16 v35, v14;
	v44 =	vor.u32 v6, v37;
	v61 =	vor.u32 v7, v37;
	v60 =	vld.idx.msk [tilespmem:v39+s26+$0x0], $0xffff  }
0xcc: {  	v45 =	vor.u32 v8, v37;
	v46 =	vor.u32 v9, v37;
	v47 =	vor.u32 v10, v37;
	v40 =	vld.idx.msk [tilespmem:v40+s26+$0x0], $0xffff  }
0xcd: {  	v62 =	vor.u32 v11, v37;
	v29 =	vmul.bf16 v29, v14;
	v30 =	vmul.bf16 v30, v14;
	v41 =	vld.idx.msk [tilespmem:v41+s26+$0x0], $0xffff  }
0xce: {  	v13 =	vadd.bf16 v36, v13;
	v19 =	vadd.bf16 v35, v19;
	v32 =	vmul.bf16 v32, v14;
	v63 =	vld.idx.msk [tilespmem:v42+s26+$0x0], $0xffff  }
0xcf: {  	v15 =	vadd.bf16 v29, v15;
	v29 =	vmul.bf16 v33, v14;
	v16 =	vadd.bf16 v30, v16;
	v48 =	vld.idx.msk [tilespmem:v43+s26+$0x0], $0xffff  }
0xd0: {  	v17 =	vadd.bf16 v32, v17;
	v42 =	vmul.bf16 v34, v14;
	v30 =	vmul.bf16 v31, v14;
	v31 =	vld.idx.msk [tilespmem:v44+s26+$0x0], $0xffff  }
0xd1: {  	v28 =	vmul.bf16 v28, v14;
	v18 =	vadd.bf16 v29, v18;
	v29 =	vld.idx.msk [tilespmem:v61+s26+$0x0], $0xffff;
	v26 =	vmul.bf16 v26, v14  }
0xd2: {  	v27 =	vmul.bf16 v27, v14;
	v20 =	vadd.bf16 v42, v20;
	v21 =	vadd.bf16 v30, v21;
	v30 =	vld.idx.msk [tilespmem:v45+s26+$0x0], $0xffff  }
0xd3: {  	v14 =	vmul.bf16 v25, v14;
	v22 =	vadd.bf16 v28, v22;
	v24 =	vadd.bf16 v26, v24;
	v26 =	vld.idx.msk [tilespmem:v47+s26+$0x0], $0xffff  }
0xd4: {  	v28 =	vld.idx.msk [tilespmem:v46+s26+$0x0], $0xffff;
	v23 =	vadd.bf16 v27, v23;
	v25 =	vmul.bf16 v60, v38;
	v27 =	vmul.bf16 v40, v38  }
0xd5: {  	v13 =	vadd.bf16 v14, v13;
	v49 =	vmul.bf16 v41, v38;
	v50 =	vmul.bf16 v63, v38  }
0xd6: {  	v29 =	vmul.bf16 v29, v38;
	v19 =	vadd.bf16 v25, v19;
	v14 =	vadd.bf16 v27, v15  }
0xd7: {  	v25 =	vld.idx.msk [tilespmem:v62+s26+$0x0], $0xffff;
	v15 =	vmul.bf16 v48, v38;
	v27 =	vmul.bf16 v31, v38;
	v16 =	vadd.bf16 v49, v16  }
0xd8: {  	v30 =	vmul.bf16 v30, v38;
	v17 =	vadd.bf16 v50, v17;
	v26 =	vmul.bf16 v26, v38  }
0xd9: {  	v21 =	vadd.bf16 v29, v21;
	v15 =	vadd.bf16 v15, v18;
	v18 =	vmul.bf16 v28, v38  }
0xda: {  	v20 =	vadd.bf16 v27, v20;
	v22 =	vadd.bf16 v30, v22  }
0xdb: {  	v18 =	vadd.bf16 v18, v23;
	v23 =	vadd.bf16 v26, v24  }
0xdc: {  	v24 =	vunpack.i.u.bf16.f32 v14;
	v14 =	vunpack.i.l.bf16.f32 v14;
	v25 =	vmul.bf16 v25, v38  }
0xdd: {  	v14 =	vadd.f32 v14, v24;
	v24 =	vunpack.i.u.bf16.f32 v16;
	v16 =	vunpack.i.l.bf16.f32 v16  }
0xde: {  	v16 =	vadd.f32 v16, v24;
	v24 =	vunpack.i.u.bf16.f32 v17;
	v17 =	vunpack.i.l.bf16.f32 v17  }
0xdf: {  	v26 =	vunpack.i.u.bf16.f32 v21;
	v17 =	vadd.f32 v17, v24;
	v24 =	vadd.f32 v14, v14  }
0xe0: {  	v21 =	vunpack.i.l.bf16.f32 v21;
	v13 =	vadd.bf16 v25, v13;
	v16 =	vadd.f32 v16, v16  }
0xe1: {  	v25 =	vunpack.i.u.bf16.f32 v15;
	v15 =	vunpack.i.l.bf16.f32 v15;
	v24 =	vmul.f32 $1.442695020e+00, v24  }
0xe2: {  	v15 =	vadd.f32 v15, v25;
	v17 =	vadd.f32 v17, v17;
	v16 =	vmul.f32 $1.442695020e+00, v16  }
0xe3: {  	v25 =	vunpack.i.u.bf16.f32 v20;
	v20 =	vunpack.i.l.bf16.f32 v20;
	(erf) = vpow2.f32 v24  }
0xe4: {  	v15 =	vadd.f32 v15, v15;
	(erf) = vpow2.f32 v16;
	v16 =	vmul.f32 $1.442695020e+00, v17  }
0xe5: {  	v17 =	vadd.f32 v20, v25;
	v20 =	vadd.f32 v21, v26;
	v21 =	vunpack.i.u.bf16.f32 v22  }
0xe6: {  	v22 =	vunpack.i.l.bf16.f32 v22;
	v15 =	vmul.f32 $1.442695020e+00, v15;
	(erf) = vpow2.f32 v16  }
0xe7: {  	v16 =	vunpack.i.u.bf16.f32 v18;
	v18 =	vunpack.i.l.bf16.f32 v18;
	v17 =	vadd.f32 v17, v17  }
0xe8: {  	v21 =	vadd.f32 v22, v21;
	v16 =	vadd.f32 v18, v16  }
0xe9: {  	(erf) = vpow2.f32 v15;
	v18 =	vadd.f32 v20, v20;
	v17 =	vmul.f32 $1.442695020e+00, v17  }
0xea: {  	v22 =	vunpack.i.u.bf16.f32 v13;
	v15 =	vunpack.i.u.bf16.f32 v23;
	v20 =	vunpack.i.l.bf16.f32 v23  }
0xeb: {  	v15 =	vadd.f32 v20, v15;
	(erf) = vpow2.f32 v17;
	v17 =	vmul.f32 $1.442695020e+00, v18  }
0xec: {  	v13 =	vunpack.i.l.bf16.f32 v13;
	v16 =	vadd.f32 v16, v16;
	v18 =	vadd.f32 v21, v21  }
0xed: {  	v13 =	vadd.f32 v13, v22;
	v20 =	vpop (erf);
	(erf) = vpow2.f32 v17  }
0xee: {  	v15 =	vadd.f32 v15, v15;
	v16 =	vmul.f32 $1.442695020e+00, v16;
	v17 =	vmul.f32 $1.442695020e+00, v18;
	v21 =	vpop (erf)  }
0xef: {  	v18 =	vunpack.i.u.bf16.f32 v19;
	v19 =	vunpack.i.l.bf16.f32 v19;
	v20 =	vadd.f32 v21, v20  }
0xf0: {  	v15 =	vmul.f32 $1.442695020e+00, v15;
	(erf) = vpow2.f32 v17;
	v17 =	vadd.f32 v19, v18;
	v21 =	vpop (erf)  }
0xf1: {  	v13 =	vadd.f32 v13, v13;
	(erf) = vpow2.f32 v16;
	v18 =	vadd.f32 v21, v20  }
0xf2: {  	v19 =	vpop (erf);
	(erf) = vpow2.f32 v15;
	v15 =	vadd.f32 v17, v17  }
0xf3: {  	v13 =	vmul.f32 $1.442695020e+00, v13;
	v16 =	vadd.f32 v19, v18  }
0xf4: {  	v17 =	vpop (erf)  }
0xf5: {  	(erf) = vpow2.f32 v13;
	v13 =	vmul.f32 $1.442695020e+00, v15;
	v16 =	vadd.f32 v17, v16  }
0xf6: {  	v15 =	vpop (erf)  }
0xf7: {  	v15 =	vadd.f32 v15, v16  }
0xf8: {  	(erf) = vpow2.f32 v13  }
0xf9: {  	v13 =	vpop (erf)  }
0xfa: {  	v13 =	vadd.f32 v13, v15  }
0xfb: {  	v15 =	vpop (erf)  }
0xfc: {  	v13 =	vadd.f32 v15, v13  }
0xfd: {  	v15 =	vpop (erf)  }
0xfe: {  	v13 =	vadd.f32 v15, v13  }
0xff: {  	v15 =	vpop (erf)  }
0x100: {  	v13 =	vadd.f32 v15, v13  }
0x101: {  	v15 =	vpop (erf)  }
0x102: {  	v13 =	vadd.f32 v15, v13  }
0x103: {  	[tilespmem:s8+$0xB960] =	vst v14  }
0x104: {  	[tilespmem:s8+$0x9250] =	vst v13  }
0x105: {  	s9 =	sadd.s32 @!p0 s9, s12;
	s13 =	simm.s32 @!p0 $0x0;
	_ =	swait.ge [sflag:s18], $0x3000  }
0x106: {  	s14 =	simm.s32 @!p0 $0x180;
	s9 =	sshrl.u32 @!p0 s9, $0x3;
	[sflag:s18] =	ssyncset.done $0x0  }
0x107: {  	s15 =	simm.s32 $0x0;
	s9 =	sadd.s32 @!p0 s4, s9;
	[sflag:s18] =	ssyncadd.s32 $0xFFFFD000  }
0x108: {  	[tilespmem:s14], [sflag:$0x3] =	stream.linear.gather @!p0 [hbm4b:s9+s13], $0xC0, $0x38;
	[tilespmem:$0x17CA0] =	vst v63  }
0x109: {  	v13 =	vadd.s32 s15, v1;
	s9 =	simm.s32 @!p0 $0x2  }
0x10a: {  	v13 =	vand.u32 $0x3F, v13;
	_ =	swait.ge @!p0 [sflag:s9], $0xC0  }
0x10b: {  	v14 =	vor.u32 v0, v13;
	s13 =	simm.s32 @!p0 $0xC0;
	[sflag:s9] =	ssyncset.done @!p0 $0x0  }
0x10c: {  	v15 =	vor.u32 v12, v13;
	s14 =	simm.s32 @!p0 $0x3240;
	[sflag:s9] =	ssyncadd.s32 @!p0 $0xFFFFFF40;
	s9 =	simm.s32 @!p0 $0x80  }
0x10d: {  	v16 =	vor.u32 v2, v13;
	[tilespmem:s14], [sflag:$0x5] =	stream.indirect.gather @!p0 [spmem:s2], $0x40, s13, s9, $0xb8;
	[tilespmem:$0x17CA0] =	vst v63  }
0x10e: {  	v17 =	vor.u32 v3, v13;
	s9 =	simm.s32 @!p0 $0x40;
	s13 =	simm.s32 @!p0 $0x140;
	s14 =	simm.s32 @!p0 $0x5240  }
0x10f: {  	v20 =	vor.u32 v7, v13;
	[tilespmem:s14], [sflag:$0x5] =	stream.indirect.gather @!p0 [spmem:s2], $0x40, s13, s9, $0xb8;
	[tilespmem:$0x17CA0] =	vst v63  }
0x110: {  	v21 =	vor.u32 v8, v13;
	v23 =	vld.idx.msk [tilespmem:v14+s0+$0x0], $0xffff  }
0x111: {  	v24 =	vor.u32 v10, v13;
	v15 =	vld.idx.msk [tilespmem:v15+s0+$0x0], $0xffff  }
0x112: {  	v18 =	vor.u32 v4, v13;
	v16 =	vld.idx.msk [tilespmem:v16+s0+$0x0], $0xffff  }
0x113: {  	v19 =	vor.u32 v5, v13;
	v17 =	vld.idx.msk [tilespmem:v17+s0+$0x0], $0xffff  }
0x114: {  	s14 =	simm.s32 $0x1;
	v14 =	vor.u32 v6, v13;
	v20 =	vld.idx.msk [tilespmem:v20+s0+$0x0], $0xffff  }
0x115: {  	s15 =	simm.s32 $0x2;
	v22 =	vor.u32 v9, v13;
	v25 =	vadd.s32 s14, v1;
	v21 =	vld.idx.msk [tilespmem:v21+s0+$0x0], $0xffff  }
0x116: {  	v63 =	vadd.s32 s15, v1;
	v30 =	vor.u32 v11, v13;
	v24 =	vld.idx.msk [tilespmem:v24+s0+$0x0], $0xffff;
	v25 =	vand.u32 $0x3F, v25  }
0x117: {  	v37 =	vand.u32 $0x3F, v63;
	v18 =	vld.idx.msk [tilespmem:v18+s0+$0x0], $0xffff;
	v54 =	vor.u32 v12, v25  }
0x118: {  	v29 =	vld.idx.msk [tilespmem:v19+s0+$0x0], $0xffff;
	v13 =	vimm.bf16 $0.0e+00;
	v52 =	vor.u32 v2, v25;
	v53 =	vor.u32 v3, v25  }
0x119: {  	v55 =	vor.u32 v4, v25;
	v56 =	vor.u32 v5, v25;
	v51 =	vld.idx.msk [tilespmem:v14+s0+$0x0], $0xffff;
	v14 =	vor.u32 v0, v25  }
0x11a: {  	v22 =	vld.idx.msk [tilespmem:v22+s0+$0x0], $0xffff;
	v57 =	vor.u32 v6, v25;
	v15 =	vmul.bf16 v15, v23;
	v60 =	vmul.bf16 v20, v23  }
0x11b: {  	v58 =	vld.idx.msk [tilespmem:v30+s0+$0x0], $0xffff;
	v31 =	vor.u32 v7, v25;
	v61 =	vmul.bf16 v21, v23;
	v24 =	vmul.bf16 v24, v23  }
0x11c: {  	v19 =	vadd.bf16 v15, v13;
	v15 =	vmul.bf16 v16, v23;
	v16 =	vmul.bf16 v17, v23;
	v35 =	vld.idx.msk [tilespmem:v54+s0+$0x0], $0xffff  }
0x11d: {  	v28 =	vor.u32 v8, v25;
	v17 =	vmul.bf16 v18, v23;
	v18 =	vmul.bf16 v29, v23;
	v29 =	vld.idx.msk [tilespmem:v52+s0+$0x0], $0xffff  }
0x11e: {  	v27 =	vor.u32 v9, v25;
	v26 =	vor.u32 v10, v25;
	v21 =	vadd.bf16 v60, v13;
	v14 =	vld.idx.msk [tilespmem:v14+s0+$0x0], $0xffff  }
0x11f: {  	v62 =	vmul.bf16 v22, v23;
	v30 =	vld.idx.msk [tilespmem:v53+s0+$0x0], $0xffff;
	v22 =	vadd.bf16 v61, v13;
	v24 =	vadd.bf16 v24, v13  }
0x120: {  	v32 =	vld.idx.msk [tilespmem:v55+s0+$0x0], $0xffff;
	v15 =	vadd.bf16 v15, v13;
	v16 =	vadd.bf16 v16, v13;
	v59 =	vmul.bf16 v51, v23  }
0x121: {  	v25 =	vor.u32 v11, v25;
	v33 =	vld.idx.msk [tilespmem:v56+s0+$0x0], $0xffff;
	v17 =	vadd.bf16 v17, v13;
	v18 =	vadd.bf16 v18, v13  }
0x122: {  	s9 =	simm.s32 $0x3;
	v36 =	vmul.bf16 v58, v23;
	v34 =	vld.idx.msk [tilespmem:v57+s0+$0x0], $0xffff;
	v23 =	vadd.bf16 v62, v13;
	v20 =	vadd.bf16 v59, v13  }
.LBB2_7:
0x123: {  	p0 =	sne.s32 s9, $0x3F;
	v38 =	vor.u32 v0, v37;
	v39 =	vor.u32 v2, v37;
	v40 =	vld.idx.msk [tilespmem:v31+s0+$0x0], $0xffff;
	v31 =	vmul.bf16 v35, v14  }
0x124: {  	v41 =	vor.u32 v3, v37;
	v42 =	vor.u32 v4, v37;
	v35 =	vor.u32 v12, v37;
	v43 =	vld.idx.msk [tilespmem:v28+s0+$0x0], $0xffff  }
0x125: {  	v44 =	vor.u32 v5, v37;
	v45 =	vor.u32 v6, v37;
	v46 =	vld.idx.msk [tilespmem:v27+s0+$0x0], $0xffff;
	v19 =	vadd.bf16 v31, v19  }
0x126: {  	v28 =	vor.u32 v8, v37;
	v31 =	vor.u32 v7, v37;
	v27 =	vor.u32 v9, v37;
	v47 =	vld.idx.msk [tilespmem:v26+s0+$0x0], $0xffff  }
0x127: {  	v29 =	vmul.bf16 v29, v14;
	v26 =	vor.u32 v10, v37;
	v48 =	vld.idx.msk [tilespmem:v25+s0+$0x0], $0xffff;
	v25 =	vor.u32 v11, v37  }
0x128: {  	v13 =	vadd.bf16 v36, v13;
	v30 =	vmul.bf16 v30, v14;
	v32 =	vmul.bf16 v32, v14;
	v38 =	vld.idx.msk [tilespmem:v38+s0+$0x0], $0xffff  }
0x129: {  	v15 =	vadd.bf16 v29, v15;
	v33 =	vmul.bf16 v33, v14;
	v34 =	vmul.bf16 v34, v14;
	v35 =	vld.idx.msk [tilespmem:v35+s0+$0x0], $0xffff  }
.Ltmp2:
0x12a: {  	v16 =	vadd.bf16 v30, v16;
	v36 =	vmul.bf16 v40, v14;
	v37 =	vmul.bf16 v43, v14;
	v29 =	vld.idx.msk [tilespmem:v39+s0+$0x0], $0xffff;
	(pc) =	sbr.rel @p0 .LBB2_7-.Ltmp2, $4  }
0x12b: {  	v17 =	vadd.bf16 v32, v17;
	v18 =	vadd.bf16 v33, v18;
	v39 =	vmul.bf16 v46, v14;
	v30 =	vld.idx.msk [tilespmem:v41+s0+$0x0], $0xffff  }
0x12c: {  	v20 =	vadd.bf16 v34, v20;
	v21 =	vadd.bf16 v36, v21;
	v40 =	vmul.bf16 v47, v14;
	v32 =	vld.idx.msk [tilespmem:v42+s0+$0x0], $0xffff  }
0x12d: {  	v34 =	vadd.s32 s9, v1;
	v22 =	vadd.bf16 v37, v22;
	v36 =	vmul.bf16 v48, v14;
	v33 =	vld.idx.msk [tilespmem:v44+s0+$0x0], $0xffff  }
0x12e: {  	s9 =	sadd.s32 $0x1, s9;
	v37 =	vand.u32 $0x3F, v34;
	v23 =	vadd.bf16 v39, v23;
	v24 =	vadd.bf16 v40, v24;
	v14 =	vmovc v38;
	v34 =	vld.idx.msk [tilespmem:v45+s0+$0x0], $0xffff  }
0x12f: {  	_ =	sdelay $0x3  }
0x130: {  	v38 =	vor.u32 v0, v37;
	v31 =	vld.idx.msk [tilespmem:v31+s0+$0x0], $0xffff  }
0x131: {  	v39 =	vor.u32 v12, v37;
	v28 =	vld.idx.msk [tilespmem:v28+s0+$0x0], $0xffff  }
0x132: {  	v40 =	vor.u32 v2, v37;
	v27 =	vld.idx.msk [tilespmem:v27+s0+$0x0], $0xffff  }
0x133: {  	v41 =	vor.u32 v3, v37;
	v26 =	vld.idx.msk [tilespmem:v26+s0+$0x0], $0xffff  }
0x134: {  	v42 =	vor.u32 v4, v37;
	v25 =	vld.idx.msk [tilespmem:v25+s0+$0x0], $0xffff  }
0x135: {  	v44 =	vor.u32 v6, v37;
	v38 =	vld.idx.msk [tilespmem:v38+s0+$0x0], $0xffff  }
0x136: {  	v35 =	vmul.bf16 v35, v14;
	v43 =	vor.u32 v5, v37;
	v63 =	vor.u32 v7, v37;
	v62 =	vld.idx.msk [tilespmem:v39+s0+$0x0], $0xffff  }
0x137: {  	v45 =	vor.u32 v8, v37;
	v46 =	vor.u32 v9, v37;
	v47 =	vor.u32 v10, v37;
	v40 =	vld.idx.msk [tilespmem:v40+s0+$0x0], $0xffff  }
0x138: {  	v48 =	vor.u32 v11, v37;
	v29 =	vmul.bf16 v29, v14;
	v30 =	vmul.bf16 v30, v14;
	v41 =	vld.idx.msk [tilespmem:v41+s0+$0x0], $0xffff  }
0x139: {  	v13 =	vadd.bf16 v36, v13;
	v19 =	vadd.bf16 v35, v19;
	v32 =	vmul.bf16 v32, v14;
	v49 =	vld.idx.msk [tilespmem:v42+s0+$0x0], $0xffff  }
0x13a: {  	v15 =	vadd.bf16 v29, v15;
	v50 =	vmul.bf16 v33, v14;
	v16 =	vadd.bf16 v30, v16;
	v54 =	vld.idx.msk [tilespmem:v44+s0+$0x0], $0xffff  }
0x13b: {  	v51 =	vmul.bf16 v34, v14;
	v17 =	vadd.bf16 v32, v17;
	v53 =	vmul.bf16 v31, v14;
	v55 =	vld.idx.msk [tilespmem:v63+s0+$0x0], $0xffff  }
0x13c: {  	v28 =	vmul.bf16 v28, v14;
	v18 =	vadd.bf16 v50, v18;
	v27 =	vmul.bf16 v27, v14;
	v56 =	vld.idx.msk [tilespmem:v45+s0+$0x0], $0xffff  }
0x13d: {  	v26 =	vmul.bf16 v26, v14;
	v14 =	vmul.bf16 v25, v14;
	v59 =	vld.idx.msk [tilespmem:v47+s0+$0x0], $0xffff;
	v20 =	vadd.bf16 v51, v20  }
0x13e: {  	v61 =	vld.idx.msk [tilespmem:v48+s0+$0x0], $0xffff;
	v21 =	vadd.bf16 v53, v21;
	v22 =	vadd.bf16 v28, v22;
	v57 =	vmul.bf16 v62, v38  }
0x13f: {  	v52 =	vld.idx.msk [tilespmem:v43+s0+$0x0], $0xffff;
	v23 =	vadd.bf16 v27, v23;
	v60 =	vmul.bf16 v40, v38;
	v62 =	vmul.bf16 v41, v38  }
0x140: {  	v58 =	vld.idx.msk [tilespmem:v46+s0+$0x0], $0xffff;
	v24 =	vadd.bf16 v26, v24;
	v63 =	vmul.bf16 v49, v38;
	v34 =	vmul.bf16 v54, v38  }
0x141: {  	v13 =	vadd.bf16 v14, v13;
	v29 =	vmul.bf16 v55, v38;
	v30 =	vmul.bf16 v56, v38  }
0x142: {  	v26 =	vmul.bf16 v59, v38;
	v19 =	vadd.bf16 v57, v19;
	v14 =	vadd.bf16 v60, v15  }
0x143: {  	v25 =	vmul.bf16 v61, v38;
	v16 =	vadd.bf16 v62, v16;
	v17 =	vadd.bf16 v63, v17  }
0x144: {  	v15 =	vmul.bf16 v52, v38;
	v20 =	vadd.bf16 v34, v20;
	v21 =	vadd.bf16 v29, v21  }
0x145: {  	v35 =	vmul.bf16 v58, v38;
	v22 =	vadd.bf16 v30, v22;
	v36 =	vadd.bf16 v26, v24  }
0x146: {  	v13 =	vadd.bf16 v25, v13;
	v15 =	vadd.bf16 v15, v18  }
0x147: {  	v18 =	vadd.bf16 v35, v23;
	v37 =	vunpack.i.u.bf16.f32 v14;
	v14 =	vunpack.i.l.bf16.f32 v14  }
0x148: {  	v38 =	vunpack.i.u.bf16.f32 v16;
	v16 =	vunpack.i.l.bf16.f32 v16;
	v14 =	vadd.f32 v14, v37  }
0x149: {  	v39 =	vunpack.i.u.bf16.f32 v17;
	v17 =	vunpack.i.l.bf16.f32 v17;
	v16 =	vadd.f32 v16, v38  }
0x14a: {  	v42 =	vunpack.i.u.bf16.f32 v20;
	v20 =	vunpack.i.l.bf16.f32 v20;
	v40 =	vadd.f32 v14, v14  }
0x14b: {  	v43 =	vunpack.i.u.bf16.f32 v21;
	v17 =	vadd.f32 v17, v39;
	v16 =	vadd.f32 v16, v16  }
0x14c: {  	v41 =	vunpack.i.u.bf16.f32 v15;
	v15 =	vunpack.i.l.bf16.f32 v15;
	v24 =	vmul.f32 $1.442695020e+00, v40  }
0x14d: {  	v15 =	vadd.f32 v15, v41;
	v17 =	vadd.f32 v17, v17;
	v16 =	vmul.f32 $1.442695020e+00, v16  }
0x14e: {  	v21 =	vunpack.i.l.bf16.f32 v21;
	v45 =	vadd.f32 v20, v42;
	(erf) = vpow2.f32 v24  }
0x14f: {  	v44 =	vmul.f32 $1.442695020e+00, v17;
	v15 =	vadd.f32 v15, v15;
	(erf) = vpow2.f32 v16  }
0x150: {  	v47 =	vunpack.i.u.bf16.f32 v22;
	v22 =	vunpack.i.l.bf16.f32 v22;
	v46 =	vadd.f32 v21, v43  }
0x151: {  	v17 =	vadd.f32 v45, v45;
	v15 =	vmul.f32 $1.442695020e+00, v15;
	(erf) = vpow2.f32 v44  }
0x152: {  	v50 =	vunpack.i.l.bf16.f32 v36;
	v51 =	vunpack.i.u.bf16.f32 v13;
	v49 =	vadd.f32 v46, v46  }
0x153: {  	v21 =	vadd.f32 v22, v47;
	v17 =	vmul.f32 $1.442695020e+00, v17;
	(erf) = vpow2.f32 v15  }
0x154: {  	v48 =	vunpack.i.u.bf16.f32 v18;
	v18 =	vunpack.i.l.bf16.f32 v18;
	v52 =	vmul.f32 $1.442695020e+00, v49  }
0x155: {  	v16 =	vadd.f32 v18, v48;
	v15 =	vunpack.i.u.bf16.f32 v36;
	(erf) = vpow2.f32 v17  }
0x156: {  	v13 =	vunpack.i.l.bf16.f32 v13;
	v53 =	vadd.f32 v21, v21;
	v15 =	vadd.f32 v50, v15  }
0x157: {  	v57 =	vunpack.i.u.bf16.f32 v19;
	v16 =	vadd.f32 v16, v16;
	v54 =	vpop (erf);
	(erf) = vpow2.f32 v52  }
0x158: {  	v19 =	vunpack.i.l.bf16.f32 v19;
	v56 =	vmul.f32 $1.442695020e+00, v53;
	v15 =	vadd.f32 v15, v15;
	v55 =	vpop (erf)  }
0x159: {  	v13 =	vadd.f32 v13, v51;
	v16 =	vmul.f32 $1.442695020e+00, v16;
	v20 =	vadd.f32 v55, v54  }
0x15a: {  	v59 =	vadd.f32 v19, v57;
	v15 =	vmul.f32 $1.442695020e+00, v15;
	(erf) = vpow2.f32 v56;
	v58 =	vpop (erf)  }
0x15b: {  	v13 =	vadd.f32 v13, v13;
	(erf) = vpow2.f32 v16;
	v60 =	vadd.f32 v58, v20  }
0x15c: {  	v61 =	vpop (erf);
	(erf) = vpow2.f32 v15;
	v15 =	vadd.f32 v59, v59  }
0x15d: {  	v13 =	vmul.f32 $1.442695020e+00, v13;
	v62 =	vadd.f32 v61, v60  }
0x15e: {  	v63 =	vpop (erf)  }
0x15f: {  	(erf) = vpow2.f32 v13;
	v13 =	vmul.f32 $1.442695020e+00, v15;
	v16 =	vadd.f32 v63, v62  }
0x160: {  	v15 =	vpop (erf)  }
0x161: {  	v15 =	vadd.f32 v15, v16  }
0x162: {  	(erf) = vpow2.f32 v13  }
0x163: {  	v13 =	vpop (erf)  }
0x164: {  	v13 =	vadd.f32 v13, v15  }
0x165: {  	v15 =	vpop (erf)  }
0x166: {  	v13 =	vadd.f32 v15, v13  }
0x167: {  	v15 =	vpop (erf)  }
0x168: {  	s7 =	sadd.s32 $0x1, s7;
	v13 =	vadd.f32 v15, v13  }
0x169: {  	p0 =	sne.s32 s7, $0xD0;
	v15 =	vpop (erf)  }
.Ltmp3:
0x16a: {  	v13 =	vadd.f32 v15, v13;
	(pc) =	sbr.rel @p0 .LBB2_2-.Ltmp3, $4  }
0x16b: {  	v15 =	vpop (erf)  }
0x16c: {  	v13 =	vadd.f32 v15, v13  }
0x16d: {  	[tilespmem:s8+$0xB970] =	vst v14  }
0x16e: {  	[tilespmem:s8+$0x9260] =	vst v13  }
0x16f: {  	s7 =	simm.s32 $0x0  }
0x170: {  	v13 =	vadd.s32 s7, v1  }
0x171: {  	v13 =	vand.u32 $0x3F, v13  }
0x172: {  	v14 =	vor.u32 v0, v13  }
0x173: {  	v15 =	vor.u32 v12, v13  }
0x174: {  	_ =	swait.ge [sflag:s30], $0x3000;
	v16 =	vor.u32 v2, v13  }
0x175: {  	[sflag:s30] =	ssyncset.done $0x0;
	v17 =	vor.u32 v3, v13  }
0x176: {  	[sflag:s30] =	ssyncadd.s32 $0xFFFFD000;
	v18 =	vor.u32 v4, v13  }
0x177: {  	v20 =	vor.u32 v7, v13;
	v23 =	vld.idx.msk [tilespmem:v14+s22+$0x0], $0xffff  }
0x178: {  	v21 =	vor.u32 v8, v13;
	v15 =	vld.idx.msk [tilespmem:v15+s22+$0x0], $0xffff  }
0x179: {  	v22 =	vor.u32 v9, v13;
	v16 =	vld.idx.msk [tilespmem:v16+s22+$0x0], $0xffff  }
0x17a: {  	v24 =	vor.u32 v10, v13;
	v17 =	vld.idx.msk [tilespmem:v17+s22+$0x0], $0xffff  }
0x17b: {  	s14 =	simm.s32 $0x1;
	v14 =	vor.u32 v6, v13;
	v18 =	vld.idx.msk [tilespmem:v18+s22+$0x0], $0xffff  }
0x17c: {  	v25 =	vadd.s32 s14, v1;
	v19 =	vor.u32 v5, v13;
	v20 =	vld.idx.msk [tilespmem:v20+s22+$0x0], $0xffff  }
0x17d: {  	s15 =	simm.s32 $0x2;
	v25 =	vand.u32 $0x3F, v25;
	v30 =	vor.u32 v11, v13;
	v21 =	vld.idx.msk [tilespmem:v21+s22+$0x0], $0xffff  }
0x17e: {  	v63 =	vadd.s32 s15, v1;
	v33 =	vor.u32 v2, v25;
	v35 =	vor.u32 v12, v25;
	v22 =	vld.idx.msk [tilespmem:v22+s22+$0x0], $0xffff  }
0x17f: {  	v34 =	vor.u32 v3, v25;
	v36 =	vor.u32 v4, v25;
	v37 =	vor.u32 v5, v25;
	v24 =	vld.idx.msk [tilespmem:v24+s22+$0x0], $0xffff  }
0x180: {  	v38 =	vor.u32 v6, v25;
	v31 =	vor.u32 v7, v25;
	v32 =	vld.idx.msk [tilespmem:v14+s22+$0x0], $0xffff;
	v14 =	vor.u32 v0, v25  }
0x181: {  	v28 =	vor.u32 v8, v25;
	v27 =	vor.u32 v9, v25;
	v26 =	vor.u32 v10, v25;
	v29 =	vld.idx.msk [tilespmem:v19+s22+$0x0], $0xffff  }
0x182: {  	v13 =	vimm.bf16 $0.0e+00;
	v39 =	vld.idx.msk [tilespmem:v30+s22+$0x0], $0xffff;
	v15 =	vmul.bf16 v15, v23;
	v62 =	vmul.bf16 v20, v23  }
0x183: {  	v35 =	vld.idx.msk [tilespmem:v35+s22+$0x0], $0xffff;
	v25 =	vor.u32 v11, v25;
	v41 =	vmul.bf16 v21, v23;
	v42 =	vmul.bf16 v22, v23  }
0x184: {  	v30 =	vld.idx.msk [tilespmem:v34+s22+$0x0], $0xffff;
	v24 =	vmul.bf16 v24, v23;
	v19 =	vadd.bf16 v15, v13;
	v15 =	vmul.bf16 v16, v23  }
0x185: {  	v16 =	vmul.bf16 v17, v23;
	v17 =	vmul.bf16 v18, v23;
	v21 =	vadd.bf16 v62, v13;
	v14 =	vld.idx.msk [tilespmem:v14+s22+$0x0], $0xffff  }
0x186: {  	v34 =	vld.idx.msk [tilespmem:v38+s22+$0x0], $0xffff;
	v18 =	vmul.bf16 v29, v23;
	v22 =	vadd.bf16 v41, v13;
	v24 =	vadd.bf16 v24, v13  }
0x187: {  	v29 =	vld.idx.msk [tilespmem:v33+s22+$0x0], $0xffff;
	v15 =	vadd.bf16 v15, v13;
	v16 =	vadd.bf16 v16, v13;
	v40 =	vmul.bf16 v32, v23  }
0x188: {  	v33 =	vld.idx.msk [tilespmem:v37+s22+$0x0], $0xffff;
	v37 =	vand.u32 $0x3F, v63;
	v17 =	vadd.bf16 v17, v13;
	v18 =	vadd.bf16 v18, v13  }
0x189: {  	s7 =	simm.s32 $0x3;
	v32 =	vld.idx.msk [tilespmem:v36+s22+$0x0], $0xffff;
	v36 =	vmul.bf16 v39, v23;
	v23 =	vadd.bf16 v42, v13;
	v20 =	vadd.bf16 v40, v13  }
.LBB2_10:
0x18a: {  	p0 =	sne.s32 s7, $0x3F;
	v38 =	vor.u32 v0, v37;
	v39 =	vor.u32 v2, v37;
	v40 =	vld.idx.msk [tilespmem:v31+s22+$0x0], $0xffff;
	v31 =	vmul.bf16 v35, v14  }
0x18b: {  	v41 =	vor.u32 v3, v37;
	v42 =	vor.u32 v4, v37;
	v35 =	vor.u32 v12, v37;
	v43 =	vld.idx.msk [tilespmem:v28+s22+$0x0], $0xffff  }
0x18c: {  	v44 =	vor.u32 v5, v37;
	v45 =	vor.u32 v6, v37;
	v46 =	vld.idx.msk [tilespmem:v27+s22+$0x0], $0xffff;
	v19 =	vadd.bf16 v31, v19  }
0x18d: {  	v28 =	vor.u32 v8, v37;
	v31 =	vor.u32 v7, v37;
	v27 =	vor.u32 v9, v37;
	v47 =	vld.idx.msk [tilespmem:v26+s22+$0x0], $0xffff  }
0x18e: {  	v29 =	vmul.bf16 v29, v14;
	v26 =	vor.u32 v10, v37;
	v48 =	vld.idx.msk [tilespmem:v25+s22+$0x0], $0xffff;
	v25 =	vor.u32 v11, v37  }
0x18f: {  	v13 =	vadd.bf16 v36, v13;
	v30 =	vmul.bf16 v30, v14;
	v32 =	vmul.bf16 v32, v14;
	v38 =	vld.idx.msk [tilespmem:v38+s22+$0x0], $0xffff  }
0x190: {  	v15 =	vadd.bf16 v29, v15;
	v33 =	vmul.bf16 v33, v14;
	v34 =	vmul.bf16 v34, v14;
	v35 =	vld.idx.msk [tilespmem:v35+s22+$0x0], $0xffff  }
.Ltmp4:
0x191: {  	v16 =	vadd.bf16 v30, v16;
	v36 =	vmul.bf16 v40, v14;
	v37 =	vmul.bf16 v43, v14;
	v29 =	vld.idx.msk [tilespmem:v39+s22+$0x0], $0xffff;
	(pc) =	sbr.rel @p0 .LBB2_10-.Ltmp4, $4  }
0x192: {  	v17 =	vadd.bf16 v32, v17;
	v18 =	vadd.bf16 v33, v18;
	v39 =	vmul.bf16 v46, v14;
	v30 =	vld.idx.msk [tilespmem:v41+s22+$0x0], $0xffff  }
0x193: {  	v20 =	vadd.bf16 v34, v20;
	v21 =	vadd.bf16 v36, v21;
	v40 =	vmul.bf16 v47, v14;
	v32 =	vld.idx.msk [tilespmem:v42+s22+$0x0], $0xffff  }
0x194: {  	v34 =	vadd.s32 s7, v1;
	v22 =	vadd.bf16 v37, v22;
	v36 =	vmul.bf16 v48, v14;
	v33 =	vld.idx.msk [tilespmem:v44+s22+$0x0], $0xffff  }
0x195: {  	s7 =	sadd.s32 $0x1, s7;
	v37 =	vand.u32 $0x3F, v34;
	v23 =	vadd.bf16 v39, v23;
	v24 =	vadd.bf16 v40, v24;
	v14 =	vmovc v38;
	v34 =	vld.idx.msk [tilespmem:v45+s22+$0x0], $0xffff  }
0x196: {  	_ =	sdelay $0x3  }
0x197: {  	v38 =	vor.u32 v0, v37;
	v31 =	vld.idx.msk [tilespmem:v31+s22+$0x0], $0xffff  }
0x198: {  	v39 =	vor.u32 v12, v37;
	v28 =	vld.idx.msk [tilespmem:v28+s22+$0x0], $0xffff  }
0x199: {  	v40 =	vor.u32 v2, v37;
	v27 =	vld.idx.msk [tilespmem:v27+s22+$0x0], $0xffff  }
0x19a: {  	v41 =	vor.u32 v3, v37;
	v26 =	vld.idx.msk [tilespmem:v26+s22+$0x0], $0xffff  }
0x19b: {  	v42 =	vor.u32 v4, v37;
	v25 =	vld.idx.msk [tilespmem:v25+s22+$0x0], $0xffff  }
0x19c: {  	v44 =	vor.u32 v6, v37;
	v38 =	vld.idx.msk [tilespmem:v38+s22+$0x0], $0xffff  }
0x19d: {  	v35 =	vmul.bf16 v35, v14;
	v43 =	vor.u32 v5, v37;
	v63 =	vor.u32 v7, v37;
	v62 =	vld.idx.msk [tilespmem:v39+s22+$0x0], $0xffff  }
0x19e: {  	v45 =	vor.u32 v8, v37;
	v46 =	vor.u32 v9, v37;
	v47 =	vor.u32 v10, v37;
	v40 =	vld.idx.msk [tilespmem:v40+s22+$0x0], $0xffff  }
0x19f: {  	v48 =	vor.u32 v11, v37;
	v29 =	vmul.bf16 v29, v14;
	v30 =	vmul.bf16 v30, v14;
	v41 =	vld.idx.msk [tilespmem:v41+s22+$0x0], $0xffff  }
0x1a0: {  	v13 =	vadd.bf16 v36, v13;
	v19 =	vadd.bf16 v35, v19;
	v32 =	vmul.bf16 v32, v14;
	v49 =	vld.idx.msk [tilespmem:v42+s22+$0x0], $0xffff  }
0x1a1: {  	v15 =	vadd.bf16 v29, v15;
	v50 =	vmul.bf16 v33, v14;
	v16 =	vadd.bf16 v30, v16;
	v54 =	vld.idx.msk [tilespmem:v44+s22+$0x0], $0xffff  }
0x1a2: {  	v51 =	vmul.bf16 v34, v14;
	v17 =	vadd.bf16 v32, v17;
	v53 =	vmul.bf16 v31, v14;
	v55 =	vld.idx.msk [tilespmem:v63+s22+$0x0], $0xffff  }
0x1a3: {  	v28 =	vmul.bf16 v28, v14;
	v18 =	vadd.bf16 v50, v18;
	v27 =	vmul.bf16 v27, v14;
	v56 =	vld.idx.msk [tilespmem:v45+s22+$0x0], $0xffff  }
0x1a4: {  	v26 =	vmul.bf16 v26, v14;
	v14 =	vmul.bf16 v25, v14;
	v59 =	vld.idx.msk [tilespmem:v47+s22+$0x0], $0xffff;
	v20 =	vadd.bf16 v51, v20  }
0x1a5: {  	v61 =	vld.idx.msk [tilespmem:v48+s22+$0x0], $0xffff;
	v21 =	vadd.bf16 v53, v21;
	v22 =	vadd.bf16 v28, v22;
	v57 =	vmul.bf16 v62, v38  }
0x1a6: {  	v52 =	vld.idx.msk [tilespmem:v43+s22+$0x0], $0xffff;
	v23 =	vadd.bf16 v27, v23;
	v60 =	vmul.bf16 v40, v38;
	v62 =	vmul.bf16 v41, v38  }
0x1a7: {  	v58 =	vld.idx.msk [tilespmem:v46+s22+$0x0], $0xffff;
	v24 =	vadd.bf16 v26, v24;
	v63 =	vmul.bf16 v49, v38;
	v34 =	vmul.bf16 v54, v38  }
0x1a8: {  	v13 =	vadd.bf16 v14, v13;
	v29 =	vmul.bf16 v55, v38;
	v30 =	vmul.bf16 v56, v38  }
0x1a9: {  	v26 =	vmul.bf16 v59, v38;
	v19 =	vadd.bf16 v57, v19;
	v14 =	vadd.bf16 v60, v15  }
0x1aa: {  	v25 =	vmul.bf16 v61, v38;
	v16 =	vadd.bf16 v62, v16;
	v17 =	vadd.bf16 v63, v17  }
0x1ab: {  	v15 =	vmul.bf16 v52, v38;
	v20 =	vadd.bf16 v34, v20;
	v21 =	vadd.bf16 v29, v21  }
0x1ac: {  	v35 =	vmul.bf16 v58, v38;
	v22 =	vadd.bf16 v30, v22;
	v36 =	vadd.bf16 v26, v24  }
0x1ad: {  	v13 =	vadd.bf16 v25, v13;
	v15 =	vadd.bf16 v15, v18  }
0x1ae: {  	v18 =	vadd.bf16 v35, v23;
	v37 =	vunpack.i.u.bf16.f32 v14;
	v14 =	vunpack.i.l.bf16.f32 v14  }
0x1af: {  	v38 =	vunpack.i.u.bf16.f32 v16;
	v16 =	vunpack.i.l.bf16.f32 v16;
	v14 =	vadd.f32 v14, v37  }
0x1b0: {  	v39 =	vunpack.i.u.bf16.f32 v17;
	v17 =	vunpack.i.l.bf16.f32 v17;
	v16 =	vadd.f32 v16, v38  }
0x1b1: {  	v42 =	vunpack.i.u.bf16.f32 v20;
	v20 =	vunpack.i.l.bf16.f32 v20;
	v40 =	vadd.f32 v14, v14  }
0x1b2: {  	v43 =	vunpack.i.u.bf16.f32 v21;
	v17 =	vadd.f32 v17, v39;
	v16 =	vadd.f32 v16, v16  }
0x1b3: {  	v41 =	vunpack.i.u.bf16.f32 v15;
	v15 =	vunpack.i.l.bf16.f32 v15;
	v24 =	vmul.f32 $1.442695020e+00, v40  }
0x1b4: {  	v15 =	vadd.f32 v15, v41;
	v17 =	vadd.f32 v17, v17;
	v16 =	vmul.f32 $1.442695020e+00, v16  }
0x1b5: {  	v21 =	vunpack.i.l.bf16.f32 v21;
	v45 =	vadd.f32 v20, v42;
	(erf) = vpow2.f32 v24  }
0x1b6: {  	v44 =	vmul.f32 $1.442695020e+00, v17;
	v15 =	vadd.f32 v15, v15;
	(erf) = vpow2.f32 v16  }
0x1b7: {  	v47 =	vunpack.i.u.bf16.f32 v22;
	v22 =	vunpack.i.l.bf16.f32 v22;
	v46 =	vadd.f32 v21, v43  }
0x1b8: {  	v17 =	vadd.f32 v45, v45;
	v15 =	vmul.f32 $1.442695020e+00, v15;
	(erf) = vpow2.f32 v44  }
0x1b9: {  	v50 =	vunpack.i.l.bf16.f32 v36;
	v51 =	vunpack.i.u.bf16.f32 v13;
	v49 =	vadd.f32 v46, v46  }
0x1ba: {  	v21 =	vadd.f32 v22, v47;
	v17 =	vmul.f32 $1.442695020e+00, v17;
	(erf) = vpow2.f32 v15  }
0x1bb: {  	v48 =	vunpack.i.u.bf16.f32 v18;
	v18 =	vunpack.i.l.bf16.f32 v18;
	v52 =	vmul.f32 $1.442695020e+00, v49  }
0x1bc: {  	v16 =	vadd.f32 v18, v48;
	v15 =	vunpack.i.u.bf16.f32 v36;
	(erf) = vpow2.f32 v17  }
0x1bd: {  	v13 =	vunpack.i.l.bf16.f32 v13;
	v53 =	vadd.f32 v21, v21;
	v15 =	vadd.f32 v50, v15  }
0x1be: {  	v57 =	vunpack.i.u.bf16.f32 v19;
	v16 =	vadd.f32 v16, v16;
	v54 =	vpop (erf);
	(erf) = vpow2.f32 v52  }
0x1bf: {  	v19 =	vunpack.i.l.bf16.f32 v19;
	v56 =	vmul.f32 $1.442695020e+00, v53;
	v15 =	vadd.f32 v15, v15;
	v55 =	vpop (erf)  }
0x1c0: {  	v13 =	vadd.f32 v13, v51;
	v16 =	vmul.f32 $1.442695020e+00, v16;
	v20 =	vadd.f32 v55, v54  }
0x1c1: {  	v59 =	vadd.f32 v19, v57;
	v15 =	vmul.f32 $1.442695020e+00, v15;
	(erf) = vpow2.f32 v56;
	v58 =	vpop (erf)  }
0x1c2: {  	v13 =	vadd.f32 v13, v13;
	(erf) = vpow2.f32 v16;
	v60 =	vadd.f32 v58, v20  }
0x1c3: {  	v61 =	vpop (erf);
	(erf) = vpow2.f32 v15;
	v15 =	vadd.f32 v59, v59  }
0x1c4: {  	v13 =	vmul.f32 $1.442695020e+00, v13;
	v62 =	vadd.f32 v61, v60  }
0x1c5: {  	v63 =	vpop (erf)  }
0x1c6: {  	(erf) = vpow2.f32 v13;
	v13 =	vmul.f32 $1.442695020e+00, v15;
	v16 =	vadd.f32 v63, v62  }
0x1c7: {  	v15 =	vpop (erf)  }
0x1c8: {  	v15 =	vadd.f32 v15, v16  }
0x1c9: {  	(erf) = vpow2.f32 v13  }
0x1ca: {  	v13 =	vpop (erf)  }
0x1cb: {  	v13 =	vadd.f32 v13, v15  }
0x1cc: {  	v15 =	vpop (erf)  }
0x1cd: {  	v13 =	vadd.f32 v15, v13  }
0x1ce: {  	v15 =	vpop (erf)  }
0x1cf: {  	v13 =	vadd.f32 v15, v13  }
0x1d0: {  	v15 =	vpop (erf)  }
0x1d1: {  	v13 =	vadd.f32 v15, v13  }
0x1d2: {  	v15 =	vpop (erf)  }
0x1d3: {  	v13 =	vadd.f32 v15, v13  }
0x1d4: {  	[tilespmem:$0xE050] =	vst v14  }
0x1d5: {  	s7 =	rddreg [dreg:$0x7];
	s8 =	simm.s32 $0x9240;
	[tilespmem:$0xB940] =	vst v13  }
0x1d6: {  	[hbm4b:s7+s3] =	stream.linear.scatter [tilespmem:s8], [sflag:$0x7], $0x2710, $0x38;
	[tilespmem:$0x17CA0] =	vst v63  }
0x1d7: {  	_ =	swait.ge [sflag:s17], $0x2710  }
0x1d8: {  	[sflag:s17] =	ssyncset.done $0x0  }
0x1d9: {  	s14 =	simm.s32 $0xB950;
	s13 =	rddreg [dreg:$0x8];
	[sflag:s17] =	ssyncadd.s32 $0xFFFFD8F0  }
0x1da: {  	[hbm4b:s13+s3] =	stream.linear.scatter [tilespmem:s14], [sflag:$0x7], $0x2710, $0x38;
	[tilespmem:$0x17CA0] =	vst v63  }
0x1db: {  	_ =	swait.ge [sflag:s17], $0x2710  }
0x1dc: {  	s6 =	sadd.s32 $0x1, s6;
	s15 =	rddreg [dreg:$0x9]  }
0x1dd: {  	p0 =	sne.s32 s6, s15  }
.Ltmp5:
0x1de: {  	_ = 	snop;
	(pc) =	sbr.rel @p0 .LBB2_1-.Ltmp5, $3  }
0x1df: {  	_ =	sdelay $0x1  }
0x1e0: {  	[sflag:s17] =	ssyncset.done $0x0  }
0x1e1: {  	[sflag:s17] =	ssyncadd.s32 $0xFFFFD8F0  }
0x1e2: {  	_ =	sfence.sel $0x180000  }
0x1e3: {  	[bflag:$0x0] =	sbarrier.arrive $0xFFFF  }
0x1e4: {  	_ =	strace $0x90000047  }
0x1e5: {  	s0 =	stileid.u32;
	[bflag:$0x2] =	sbarrier.arrive $0xFFFF  }
0x1e6: {  	p0 =	sne.s32 s0, $0x0;
	s0 =	rddreg [dreg:$0x2]  }
0x1e7: {  	s0 =	sadd.s32 @!p0 $0x100000, s0  }
0x1e8: {  	[sflag:s0] =	ssyncadd.tile.s32 @!p0 $0x1;
	_ =	shalt  }
.Lfunc_end2:
_tile_overlayer_lowered:
.L_overlay_start_2:
0x1e9: {  	(tag) =	ssettag $0x2  }
0x1ea: {  	s0 =	rddreg [dreg:$0x0];
	s2 =	stileid.u32  }
0x1eb: {  	s1 =	rddreg [dreg:$0x1];
	p0 =	sne.s32 s2, $0x0  }
0x1ec: {  	s3 =	rddreg [dreg:$0x2];
	[bflag:$0x3] =	sbarrier.arrive $0xFFFF;
	s2 =	simm.s32 @!p0 $0x1C07  }
0x1ed: {  	[timem:s3], [sflag:s2] =	dma.local @!p0 [hbm:s0], s1  }
0x1ee: {  	s0 =	simm.s32 @!p0 $0x7  }
0x1ef: {  	_ =	swait.ge @!p0 [sflag:s0], s1  }
0x1f0: {  	s1 =	ssub.s32 @!p0 $0x0, s1;
	[sflag:s0] =	ssyncset.done @!p0 $0x0  }
0x1f1: {  	[sflag:s0] =	ssyncadd.s32 @!p0 s1  }
0x1f2: {  	[bflag:$0x3] =	sbarrier.arrive $0xFFFF  }
0x1f3: {  	_ =	shalt  }

</sc_bundles>
